<compile_context>
chip_gen: v7x
topology: tpu7x:2x2x1
jax: 0.10.2.dev20260603
libtpu: 0.0.44.dev20260713+nightly
codegen_flags: <defaults>
</compile_context>

<pallas_src>
import functools

import jax
import jax.numpy as jnp
from jax import lax
from jax.experimental import pallas as pl
from jax.experimental.pallas import tpu as pltpu
from jax.experimental.pallas import tpu_sc as plsc


@functools.cache
def _build(batch, seq_len, vocab, dim, idx_dtype):
    info = plsc.get_sparse_core_info()
    nc, ns, nl = info.num_cores, info.num_subcores, info.num_lanes
    nw = nc * ns
    n = batch * seq_len
    assert n % nw == 0
    per_w = n // nw
    chunk = 128
    assert per_w % chunk == 0
    n_chunk = per_w // chunk
    half_rows = per_w // 2
    chunks_per_half = n_chunk // 2

    mesh = plsc.VectorSubcoreMesh(core_axis_name="c", subcore_axis_name="s")

    @functools.partial(
        pl.kernel,
        mesh=mesh,
        out_type=(
            jax.ShapeDtypeStruct((n, dim), jnp.float32),
            jax.ShapeDtypeStruct((nw, per_w), idx_dtype),
        ),
        scratch_types=[
            pltpu.VMEM((n_chunk, chunk), jnp.int32),
            pltpu.VMEM((half_rows, dim), jnp.float32),
            pltpu.VMEM((per_w,), idx_dtype),
            pltpu.SemaphoreType.DMA,
        ],
    )
    def k(ids_hbm, table_hbm, out_hbm, pos_hbm, idx_v, rows_v, pos_v, sem):
        wid = lax.axis_index("s") * nc + lax.axis_index("c")
        base = wid * per_w
        pltpu.sync_copy(ids_hbm.at[wid], idx_v)
        for half in range(2):
            copies = [
                pltpu.async_copy(
                    table_hbm.at[idx_v.at[half * chunks_per_half + j]],
                    rows_v.at[pl.ds(j * chunk, chunk)],
                    sem,
                )
                for j in range(chunks_per_half)
            ]
            for cp in copies:
                cp.wait()
            pltpu.sync_copy(
                rows_v, out_hbm.at[pl.ds(base + half * half_rows, half_rows)]
            )
        row_base = lax.rem(base, seq_len)
        iota = lax.iota(idx_dtype, nl)
        for j in range(per_w // nl):
            pos_v[pl.ds(j * nl, nl)] = iota + (row_base + j * nl)
        pltpu.sync_copy(pos_v, pos_hbm.at[wid])

    return k, nw, n_chunk, chunk


def kernel(input_ids, embed_table):
    batch, seq_len = input_ids.shape
    vocab, dim = embed_table.shape
    k, nw, n_chunk, chunk = _build(batch, seq_len, vocab, dim, input_ids.dtype)
    ids3 = input_ids.reshape(nw, n_chunk, chunk)
    hidden, pos = k(ids3, embed_table)
    return hidden.reshape(batch, seq_len, dim), pos.reshape(batch, seq_len)

# --- scband reference (transcript-rebuilt; emitter-appended) ---
"""Pipeline reference for scband-embed-layer-pipe-21887153341054 (READ-ONLY COPY).

The authoritative reference and input builder live on the scoring server;
editing this copy changes nothing except your own understanding.
"""

import jax, jax.numpy as jnp
import numpy as np

VOCAB = 1000000
EMBED_DIM = 128
BATCH = 4
SEQ_LEN = 8192


def setup_inputs(seed: int = 0) -> dict:
    key = jax.random.key(seed)
    k_ids, k_tab = jax.random.split(key)
    input_ids = jax.random.randint(k_ids, (BATCH, SEQ_LEN), 0, VOCAB, dtype=jnp.int64 if jax.config.read('jax_enable_x64') else jnp.int32)
    embed_table = jax.random.normal(k_tab, (VOCAB, EMBED_DIM), dtype=jnp.float32)
    return {"input_ids": input_ids, "embed_table": embed_table}


def reference(input_ids, embed_table):
    # hidden_states = embed_tokens(input_ids)
    hidden_states = jnp.take(embed_table, input_ids, axis=0)
    # position_ids = arange(seq_len).unsqueeze(0).expand_as(input_ids)
    seq_len = input_ids.shape[1]
    position_ids = jnp.arange(seq_len, dtype=input_ids.dtype)
    position_ids = jnp.broadcast_to(position_ids[None, :], input_ids.shape)
    return (hidden_states, position_ids)

if __name__ == "__main__":
    import jax
    _d = setup_inputs()
    print(jax.jit(kernel)(*tuple(_d.values())))

</pallas_src>

<mosaic_0001>
#map = affine_map<(d0, d1) -> (0, 0, 0)>
#map1 = affine_map<(d0, d1) -> (0, 0)>
module attributes {stable_mosaic.version = 14 : i64} {
  func.func @k(%arg0: i32, %arg1: i32, %arg2: memref<32x8x128xi32, #tpu.memory_space<hbm>>, %arg3: memref<1000000x128xf32, #tpu.memory_space<hbm>>, %arg4: memref<32768x128xf32, #tpu.memory_space<hbm>>, %arg5: memref<32x1024xi32, #tpu.memory_space<hbm>>, %arg6: memref<8x128xi32, #tpu.memory_space<vmem>>, %arg7: memref<512x128xf32, #tpu.memory_space<vmem>>, %arg8: memref<1024xi32, #tpu.memory_space<vmem>>, %arg9: memref<!tpu.dma_semaphore, #tpu.memory_space<semaphore_mem>>) attributes {dimension_semantics = [#tpu.dimension_semantics<core_parallel>, #tpu.dimension_semantics<subcore_parallel>], iteration_bounds = array<i64: 2, 16>, scalar_prefetch = 0 : i64, scratch_operands = 4 : i64, tpu.core_type = #tpu.core_type<sc_vector_subcore>, window_params = [{transform_indices = #map}, {transform_indices = #map1}, {transform_indices = #map1}, {transform_indices = #map1}]} {
    %mul3A = arith.constant 2 : i32
    %mul3A_0 = arith.muli %arg1, %mul3A : i32
    %add3A = arith.addi %mul3A_0, %arg0 : i32
    %mul3A_1 = arith.constant 1024 : i32
    %mul3A_2 = arith.muli %add3A, %mul3A_1 : i32
    "tpu.region"() ({
      %run_scoped3A = tpu.sem_alloc : memref<!tpu.dma_semaphore, #tpu.memory_space<semaphore_mem>>
      %dma_start3A_677 = arith.constant 0 : i32
      %dma_start3A_678 = arith.constant 0 : i32
      %dma_start3A_679 = tpu.memref_slice %arg2[%add3A, %dma_start3A_677, %dma_start3A_678] : memref<32x8x128xi32, #tpu.memory_space<hbm>> -> memref<1x8x128xi32, #tpu.memory_space<hbm>>
      %dma_start3A_680 = tpu.memref_squeeze %dma_start3A_679 : memref<1x8x128xi32, #tpu.memory_space<hbm>> -> memref<8x128xi32, #tpu.memory_space<hbm>>
      %dma_start3A_681 = arith.constant 0 : i32
      %dma_start3A_682 = arith.constant 0 : i32
      %dma_start3A_683 = tpu.memref_slice %arg2[%add3A, %dma_start3A_681, %dma_start3A_682] : memref<32x8x128xi32, #tpu.memory_space<hbm>> -> memref<1x8x128xi32, #tpu.memory_space<hbm>>
      %dma_start3A_684 = tpu.memref_squeeze %dma_start3A_683 : memref<1x8x128xi32, #tpu.memory_space<hbm>> -> memref<8x128xi32, #tpu.memory_space<hbm>>
      tpu.enqueue_dma source(%dma_start3A_684 : memref<8x128xi32, #tpu.memory_space<hbm>>) target(%arg6 : memref<8x128xi32, #tpu.memory_space<vmem>>) target_semaphore(%run_scoped3A : memref<!tpu.dma_semaphore, #tpu.memory_space<semaphore_mem>>)
      %dma_wait3A_685 = arith.constant 0 : i32
      %dma_wait3A_686 = arith.constant 0 : i32
      %dma_wait3A_687 = tpu.memref_slice %arg2[%add3A, %dma_wait3A_685, %dma_wait3A_686] : memref<32x8x128xi32, #tpu.memory_space<hbm>> -> memref<1x8x128xi32, #tpu.memory_space<hbm>>
      %dma_wait3A_688 = tpu.memref_squeeze %dma_wait3A_687 : memref<1x8x128xi32, #tpu.memory_space<hbm>> -> memref<8x128xi32, #tpu.memory_space<hbm>>
      %dma_wait3A_689 = arith.constant 0 : i32
      %dma_wait3A_690 = arith.constant 0 : i32
      %dma_wait3A_691 = tpu.memref_slice %arg2[%add3A, %dma_wait3A_689, %dma_wait3A_690] : memref<32x8x128xi32, #tpu.memory_space<hbm>> -> memref<1x8x128xi32, #tpu.memory_space<hbm>>
      %dma_wait3A_692 = tpu.memref_squeeze %dma_wait3A_691 : memref<1x8x128xi32, #tpu.memory_space<hbm>> -> memref<8x128xi32, #tpu.memory_space<hbm>>
      tpu.wait_dma2 semaphore(%run_scoped3A : memref<!tpu.dma_semaphore, #tpu.memory_space<semaphore_mem>>) src(%dma_wait3A_692 : memref<8x128xi32, #tpu.memory_space<hbm>>) dst(%arg6 : memref<8x128xi32, #tpu.memory_space<vmem>>)
      tpu.yield
    }) : () -> ()
    %dma_start3A = arith.constant 0 : i32
    %dma_start3A_3 = arith.constant 0 : i32
    %dma_start3A_4 = arith.constant 0 : i32
    %dma_start3A_5 = tpu.memref_slice %arg7[%dma_start3A_3, %dma_start3A_4] : memref<512x128xf32, #tpu.memory_space<vmem>> -> memref<128x128xf32, #tpu.memory_space<vmem>>
    %dma_start3A_6 = arith.constant 0 : i32
    %dma_start3A_7 = tpu.memref_slice %arg6[%dma_start3A, %dma_start3A_6] : memref<8x128xi32, #tpu.memory_space<vmem>> -> memref<1x128xi32, #tpu.memory_space<vmem>>
    %dma_start3A_8 = tpu.memref_squeeze %dma_start3A_7 : memref<1x128xi32, #tpu.memory_space<vmem>> -> memref<128xi32, #tpu.memory_space<vmem>>
    %dma_start3A_9 = arith.constant 0 : i32
    %dma_start3A_10 = arith.constant 0 : i32
    %dma_start3A_11 = tpu.memref_slice %arg3[%dma_start3A_9, %dma_start3A_10] : memref<1000000x128xf32, #tpu.memory_space<hbm>> -> memref<1000000x128xf32, #tpu.memory_space<hbm>>
    tpu.enqueue_indirect_dma source(%dma_start3A_11 : memref<1000000x128xf32, #tpu.memory_space<hbm>>) target(%dma_start3A_5 : memref<128x128xf32, #tpu.memory_space<vmem>>) offsets(%dma_start3A_8 : memref<128xi32, #tpu.memory_space<vmem>>) semaphore(%arg9 : memref<!tpu.dma_semaphore, #tpu.memory_space<semaphore_mem>>)
    %dma_start3A_12 = arith.constant 1 : i32
    %dma_start3A_13 = arith.constant 128 : i32
    %dma_start3A_14 = arith.constant 0 : i32
    %dma_start3A_15 = tpu.memref_slice %arg7[%dma_start3A_13, %dma_start3A_14] : memref<512x128xf32, #tpu.memory_space<vmem>> -> memref<128x128xf32, #tpu.memory_space<vmem>>
    %dma_start3A_16 = arith.constant 0 : i32
    %dma_start3A_17 = tpu.memref_slice %arg6[%dma_start3A_12, %dma_start3A_16] : memref<8x128xi32, #tpu.memory_space<vmem>> -> memref<1x128xi32, #tpu.memory_space<vmem>>
    %dma_start3A_18 = tpu.memref_squeeze %dma_start3A_17 : memref<1x128xi32, #tpu.memory_space<vmem>> -> memref<128xi32, #tpu.memory_space<vmem>>
    %dma_start3A_19 = arith.constant 0 : i32
    %dma_start3A_20 = arith.constant 0 : i32
    %dma_start3A_21 = tpu.memref_slice %arg3[%dma_start3A_19, %dma_start3A_20] : memref<1000000x128xf32, #tpu.memory_space<hbm>> -> memref<1000000x128xf32, #tpu.memory_space<hbm>>
    tpu.enqueue_indirect_dma source(%dma_start3A_21 : memref<1000000x128xf32, #tpu.memory_space<hbm>>) target(%dma_start3A_15 : memref<128x128xf32, #tpu.memory_space<vmem>>) offsets(%dma_start3A_18 : memref<128xi32, #tpu.memory_space<vmem>>) semaphore(%arg9 : memref<!tpu.dma_semaphore, #tpu.memory_space<semaphore_mem>>)
    %dma_start3A_22 = arith.constant 2 : i32
    %dma_start3A_23 = arith.constant 256 : i32
    %dma_start3A_24 = arith.constant 0 : i32
    %dma_start3A_25 = tpu.memref_slice %arg7[%dma_start3A_23, %dma_start3A_24] : memref<512x128xf32, #tpu.memory_space<vmem>> -> memref<128x128xf32, #tpu.memory_space<vmem>>
    %dma_start3A_26 = arith.constant 0 : i32
    %dma_start3A_27 = tpu.memref_slice %arg6[%dma_start3A_22, %dma_start3A_26] : memref<8x128xi32, #tpu.memory_space<vmem>> -> memref<1x128xi32, #tpu.memory_space<vmem>>
    %dma_start3A_28 = tpu.memref_squeeze %dma_start3A_27 : memref<1x128xi32, #tpu.memory_space<vmem>> -> memref<128xi32, #tpu.memory_space<vmem>>
    %dma_start3A_29 = arith.constant 0 : i32
    %dma_start3A_30 = arith.constant 0 : i32
    %dma_start3A_31 = tpu.memref_slice %arg3[%dma_start3A_29, %dma_start3A_30] : memref<1000000x128xf32, #tpu.memory_space<hbm>> -> memref<1000000x128xf32, #tpu.memory_space<hbm>>
    tpu.enqueue_indirect_dma source(%dma_start3A_31 : memref<1000000x128xf32, #tpu.memory_space<hbm>>) target(%dma_start3A_25 : memref<128x128xf32, #tpu.memory_space<vmem>>) offsets(%dma_start3A_28 : memref<128xi32, #tpu.memory_space<vmem>>) semaphore(%arg9 : memref<!tpu.dma_semaphore, #tpu.memory_space<semaphore_mem>>)
    %dma_start3A_32 = arith.constant 3 : i32
    %dma_start3A_33 = arith.constant 384 : i32
    %dma_start3A_34 = arith.constant 0 : i32
    %dma_start3A_35 = tpu.memref_slice %arg7[%dma_start3A_33, %dma_start3A_34] : memref<512x128xf32, #tpu.memory_space<vmem>> -> memref<128x128xf32, #tpu.memory_space<vmem>>
    %dma_start3A_36 = arith.constant 0 : i32
    %dma_start3A_37 = tpu.memref_slice %arg6[%dma_start3A_32, %dma_start3A_36] : memref<8x128xi32, #tpu.memory_space<vmem>> -> memref<1x128xi32, #tpu.memory_space<vmem>>
    %dma_start3A_38 = tpu.memref_squeeze %dma_start3A_37 : memref<1x128xi32, #tpu.memory_space<vmem>> -> memref<128xi32, #tpu.memory_space<vmem>>
    %dma_start3A_39 = arith.constant 0 : i32
    %dma_start3A_40 = arith.constant 0 : i32
    %dma_start3A_41 = tpu.memref_slice %arg3[%dma_start3A_39, %dma_start3A_40] : memref<1000000x128xf32, #tpu.memory_space<hbm>> -> memref<1000000x128xf32, #tpu.memory_space<hbm>>
    tpu.enqueue_indirect_dma source(%dma_start3A_41 : memref<1000000x128xf32, #tpu.memory_space<hbm>>) target(%dma_start3A_35 : memref<128x128xf32, #tpu.memory_space<vmem>>) offsets(%dma_start3A_38 : memref<128xi32, #tpu.memory_space<vmem>>) semaphore(%arg9 : memref<!tpu.dma_semaphore, #tpu.memory_space<semaphore_mem>>)
    %dma_wait3A = arith.constant 0 : i32
    %dma_wait3A_42 = arith.constant 0 : i32
    %dma_wait3A_43 = arith.constant 0 : i32
    %dma_wait3A_44 = tpu.memref_slice %arg7[%dma_wait3A_42, %dma_wait3A_43] : memref<512x128xf32, #tpu.memory_space<vmem>> -> memref<128x128xf32, #tpu.memory_space<vmem>>
    %dma_wait3A_45 = arith.constant 0 : i32
    %dma_wait3A_46 = tpu.memref_slice %arg6[%dma_wait3A, %dma_wait3A_45] : memref<8x128xi32, #tpu.memory_space<vmem>> -> memref<1x128xi32, #tpu.memory_space<vmem>>
    %dma_wait3A_47 = tpu.memref_squeeze %dma_wait3A_46 : memref<1x128xi32, #tpu.memory_space<vmem>> -> memref<128xi32, #tpu.memory_space<vmem>>
    %dma_wait3A_48 = arith.constant 0 : i32
    %dma_wait3A_49 = arith.constant 0 : i32
    %dma_wait3A_50 = tpu.memref_slice %arg3[%dma_wait3A_48, %dma_wait3A_49] : memref<1000000x128xf32, #tpu.memory_space<hbm>> -> memref<1000000x128xf32, #tpu.memory_space<hbm>>
    tpu.wait_indirect_dma semaphore(%arg9 : memref<!tpu.dma_semaphore, #tpu.memory_space<semaphore_mem>>) src(%dma_wait3A_50 : memref<1000000x128xf32, #tpu.memory_space<hbm>>) dst(%dma_wait3A_44 : memref<128x128xf32, #tpu.memory_space<vmem>>)
    %dma_wait3A_51 = arith.constant 1 : i32
    %dma_wait3A_52 = arith.constant 128 : i32
    %dma_wait3A_53 = arith.constant 0 : i32
    %dma_wait3A_54 = tpu.memref_slice %arg7[%dma_wait3A_52, %dma_wait3A_53] : memref<512x128xf32, #tpu.memory_space<vmem>> -> memref<128x128xf32, #tpu.memory_space<vmem>>
    %dma_wait3A_55 = arith.constant 0 : i32
    %dma_wait3A_56 = tpu.memref_slice %arg6[%dma_wait3A_51, %dma_wait3A_55] : memref<8x128xi32, #tpu.memory_space<vmem>> -> memref<1x128xi32, #tpu.memory_space<vmem>>
    %dma_wait3A_57 = tpu.memref_squeeze %dma_wait3A_56 : memref<1x128xi32, #tpu.memory_space<vmem>> -> memref<128xi32, #tpu.memory_space<vmem>>
    %dma_wait3A_58 = arith.constant 0 : i32
    %dma_wait3A_59 = arith.constant 0 : i32
    %dma_wait3A_60 = tpu.memref_slice %arg3[%dma_wait3A_58, %dma_wait3A_59] : memref<1000000x128xf32, #tpu.memory_space<hbm>> -> memref<1000000x128xf32, #tpu.memory_space<hbm>>
    tpu.wait_indirect_dma semaphore(%arg9 : memref<!tpu.dma_semaphore, #tpu.memory_space<semaphore_mem>>) src(%dma_wait3A_60 : memref<1000000x128xf32, #tpu.memory_space<hbm>>) dst(%dma_wait3A_54 : memref<128x128xf32, #tpu.memory_space<vmem>>)
    %dma_wait3A_61 = arith.constant 2 : i32
    %dma_wait3A_62 = arith.constant 256 : i32
    %dma_wait3A_63 = arith.constant 0 : i32
    %dma_wait3A_64 = tpu.memref_slice %arg7[%dma_wait3A_62, %dma_wait3A_63] : memref<512x128xf32, #tpu.memory_space<vmem>> -> memref<128x128xf32, #tpu.memory_space<vmem>>
    %dma_wait3A_65 = arith.constant 0 : i32
    %dma_wait3A_66 = tpu.memref_slice %arg6[%dma_wait3A_61, %dma_wait3A_65] : memref<8x128xi32, #tpu.memory_space<vmem>> -> memref<1x128xi32, #tpu.memory_space<vmem>>
    %dma_wait3A_67 = tpu.memref_squeeze %dma_wait3A_66 : memref<1x128xi32, #tpu.memory_space<vmem>> -> memref<128xi32, #tpu.memory_space<vmem>>
    %dma_wait3A_68 = arith.constant 0 : i32
    %dma_wait3A_69 = arith.constant 0 : i32
    %dma_wait3A_70 = tpu.memref_slice %arg3[%dma_wait3A_68, %dma_wait3A_69] : memref<1000000x128xf32, #tpu.memory_space<hbm>> -> memref<1000000x128xf32, #tpu.memory_space<hbm>>
    tpu.wait_indirect_dma semaphore(%arg9 : memref<!tpu.dma_semaphore, #tpu.memory_space<semaphore_mem>>) src(%dma_wait3A_70 : memref<1000000x128xf32, #tpu.memory_space<hbm>>) dst(%dma_wait3A_64 : memref<128x128xf32, #tpu.memory_space<vmem>>)
    %dma_wait3A_71 = arith.constant 3 : i32
    %dma_wait3A_72 = arith.constant 384 : i32
    %dma_wait3A_73 = arith.constant 0 : i32
    %dma_wait3A_74 = tpu.memref_slice %arg7[%dma_wait3A_72, %dma_wait3A_73] : memref<512x128xf32, #tpu.memory_space<vmem>> -> memref<128x128xf32, #tpu.memory_space<vmem>>
    %dma_wait3A_75 = arith.constant 0 : i32
    %dma_wait3A_76 = tpu.memref_slice %arg6[%dma_wait3A_71, %dma_wait3A_75] : memref<8x128xi32, #tpu.memory_space<vmem>> -> memref<1x128xi32, #tpu.memory_space<vmem>>
    %dma_wait3A_77 = tpu.memref_squeeze %dma_wait3A_76 : memref<1x128xi32, #tpu.memory_space<vmem>> -> memref<128xi32, #tpu.memory_space<vmem>>
    %dma_wait3A_78 = arith.constant 0 : i32
    %dma_wait3A_79 = arith.constant 0 : i32
    %dma_wait3A_80 = tpu.memref_slice %arg3[%dma_wait3A_78, %dma_wait3A_79] : memref<1000000x128xf32, #tpu.memory_space<hbm>> -> memref<1000000x128xf32, #tpu.memory_space<hbm>>
    tpu.wait_indirect_dma semaphore(%arg9 : memref<!tpu.dma_semaphore, #tpu.memory_space<semaphore_mem>>) src(%dma_wait3A_80 : memref<1000000x128xf32, #tpu.memory_space<hbm>>) dst(%dma_wait3A_74 : memref<128x128xf32, #tpu.memory_space<vmem>>)
    %add3A_81 = arith.constant 0 : i32
    %add3A_82 = arith.addi %mul3A_2, %add3A_81 : i32
    "tpu.region"() ({
      %run_scoped3A = tpu.sem_alloc : memref<!tpu.dma_semaphore, #tpu.memory_space<semaphore_mem>>
      %dma_start3A_677 = arith.constant 0 : i32
      %dma_start3A_678 = tpu.memref_slice %arg4[%add3A_82, %dma_start3A_677] : memref<32768x128xf32, #tpu.memory_space<hbm>> -> memref<512x128xf32, #tpu.memory_space<hbm>>
      %dma_start3A_679 = arith.constant 0 : i32
      %dma_start3A_680 = tpu.memref_slice %arg4[%add3A_82, %dma_start3A_679] : memref<32768x128xf32, #tpu.memory_space<hbm>> -> memref<512x128xf32, #tpu.memory_space<hbm>>
      tpu.enqueue_dma source(%arg7 : memref<512x128xf32, #tpu.memory_space<vmem>>) target(%dma_start3A_680 : memref<512x128xf32, #tpu.memory_space<hbm>>) target_semaphore(%run_scoped3A : memref<!tpu.dma_semaphore, #tpu.memory_space<semaphore_mem>>)
      %dma_wait3A_681 = arith.constant 0 : i32
      %dma_wait3A_682 = tpu.memref_slice %arg4[%add3A_82, %dma_wait3A_681] : memref<32768x128xf32, #tpu.memory_space<hbm>> -> memref<512x128xf32, #tpu.memory_space<hbm>>
      %dma_wait3A_683 = arith.constant 0 : i32
      %dma_wait3A_684 = tpu.memref_slice %arg4[%add3A_82, %dma_wait3A_683] : memref<32768x128xf32, #tpu.memory_space<hbm>> -> memref<512x128xf32, #tpu.memory_space<hbm>>
      tpu.wait_dma2 semaphore(%run_scoped3A : memref<!tpu.dma_semaphore, #tpu.memory_space<semaphore_mem>>) src(%arg7 : memref<512x128xf32, #tpu.memory_space<vmem>>) dst(%dma_wait3A_684 : memref<512x128xf32, #tpu.memory_space<hbm>>)
      tpu.yield
    }) : () -> ()
    %dma_start3A_83 = arith.constant 4 : i32
    %dma_start3A_84 = arith.constant 0 : i32
    %dma_start3A_85 = arith.constant 0 : i32
    %dma_start3A_86 = tpu.memref_slice %arg7[%dma_start3A_84, %dma_start3A_85] : memref<512x128xf32, #tpu.memory_space<vmem>> -> memref<128x128xf32, #tpu.memory_space<vmem>>
    %dma_start3A_87 = arith.constant 0 : i32
    %dma_start3A_88 = tpu.memref_slice %arg6[%dma_start3A_83, %dma_start3A_87] : memref<8x128xi32, #tpu.memory_space<vmem>> -> memref<1x128xi32, #tpu.memory_space<vmem>>
    %dma_start3A_89 = tpu.memref_squeeze %dma_start3A_88 : memref<1x128xi32, #tpu.memory_space<vmem>> -> memref<128xi32, #tpu.memory_space<vmem>>
    %dma_start3A_90 = arith.constant 0 : i32
    %dma_start3A_91 = arith.constant 0 : i32
    %dma_start3A_92 = tpu.memref_slice %arg3[%dma_start3A_90, %dma_start3A_91] : memref<1000000x128xf32, #tpu.memory_space<hbm>> -> memref<1000000x128xf32, #tpu.memory_space<hbm>>
    tpu.enqueue_indirect_dma source(%dma_start3A_92 : memref<1000000x128xf32, #tpu.memory_space<hbm>>) target(%dma_start3A_86 : memref<128x128xf32, #tpu.memory_space<vmem>>) offsets(%dma_start3A_89 : memref<128xi32, #tpu.memory_space<vmem>>) semaphore(%arg9 : memref<!tpu.dma_semaphore, #tpu.memory_space<semaphore_mem>>)
    %dma_start3A_93 = arith.constant 5 : i32
    %dma_start3A_94 = arith.constant 128 : i32
    %dma_start3A_95 = arith.constant 0 : i32
    %dma_start3A_96 = tpu.memref_slice %arg7[%dma_start3A_94, %dma_start3A_95] : memref<512x128xf32, #tpu.memory_space<vmem>> -> memref<128x128xf32, #tpu.memory_space<vmem>>
    %dma_start3A_97 = arith.constant 0 : i32
    %dma_start3A_98 = tpu.memref_slice %arg6[%dma_start3A_93, %dma_start3A_97] : memref<8x128xi32, #tpu.memory_space<vmem>> -> memref<1x128xi32, #tpu.memory_space<vmem>>
    %dma_start3A_99 = tpu.memref_squeeze %dma_start3A_98 : memref<1x128xi32, #tpu.memory_space<vmem>> -> memref<128xi32, #tpu.memory_space<vmem>>
    %dma_start3A_100 = arith.constant 0 : i32
    %dma_start3A_101 = arith.constant 0 : i32
    %dma_start3A_102 = tpu.memref_slice %arg3[%dma_start3A_100, %dma_start3A_101] : memref<1000000x128xf32, #tpu.memory_space<hbm>> -> memref<1000000x128xf32, #tpu.memory_space<hbm>>
    tpu.enqueue_indirect_dma source(%dma_start3A_102 : memref<1000000x128xf32, #tpu.memory_space<hbm>>) target(%dma_start3A_96 : memref<128x128xf32, #tpu.memory_space<vmem>>) offsets(%dma_start3A_99 : memref<128xi32, #tpu.memory_space<vmem>>) semaphore(%arg9 : memref<!tpu.dma_semaphore, #tpu.memory_space<semaphore_mem>>)
    %dma_start3A_103 = arith.constant 6 : i32
    %dma_start3A_104 = arith.constant 256 : i32
    %dma_start3A_105 = arith.constant 0 : i32
    %dma_start3A_106 = tpu.memref_slice %arg7[%dma_start3A_104, %dma_start3A_105] : memref<512x128xf32, #tpu.memory_space<vmem>> -> memref<128x128xf32, #tpu.memory_space<vmem>>
    %dma_start3A_107 = arith.constant 0 : i32
    %dma_start3A_108 = tpu.memref_slice %arg6[%dma_start3A_103, %dma_start3A_107] : memref<8x128xi32, #tpu.memory_space<vmem>> -> memref<1x128xi32, #tpu.memory_space<vmem>>
    %dma_start3A_109 = tpu.memref_squeeze %dma_start3A_108 : memref<1x128xi32, #tpu.memory_space<vmem>> -> memref<128xi32, #tpu.memory_space<vmem>>
    %dma_start3A_110 = arith.constant 0 : i32
    %dma_start3A_111 = arith.constant 0 : i32
    %dma_start3A_112 = tpu.memref_slice %arg3[%dma_start3A_110, %dma_start3A_111] : memref<1000000x128xf32, #tpu.memory_space<hbm>> -> memref<1000000x128xf32, #tpu.memory_space<hbm>>
    tpu.enqueue_indirect_dma source(%dma_start3A_112 : memref<1000000x128xf32, #tpu.memory_space<hbm>>) target(%dma_start3A_106 : memref<128x128xf32, #tpu.memory_space<vmem>>) offsets(%dma_start3A_109 : memref<128xi32, #tpu.memory_space<vmem>>) semaphore(%arg9 : memref<!tpu.dma_semaphore, #tpu.memory_space<semaphore_mem>>)
    %dma_start3A_113 = arith.constant 7 : i32
    %dma_start3A_114 = arith.constant 384 : i32
    %dma_start3A_115 = arith.constant 0 : i32
    %dma_start3A_116 = tpu.memref_slice %arg7[%dma_start3A_114, %dma_start3A_115] : memref<512x128xf32, #tpu.memory_space<vmem>> -> memref<128x128xf32, #tpu.memory_space<vmem>>
    %dma_start3A_117 = arith.constant 0 : i32
    %dma_start3A_118 = tpu.memref_slice %arg6[%dma_start3A_113, %dma_start3A_117] : memref<8x128xi32, #tpu.memory_space<vmem>> -> memref<1x128xi32, #tpu.memory_space<vmem>>
    %dma_start3A_119 = tpu.memref_squeeze %dma_start3A_118 : memref<1x128xi32, #tpu.memory_space<vmem>> -> memref<128xi32, #tpu.memory_space<vmem>>
    %dma_start3A_120 = arith.constant 0 : i32
    %dma_start3A_121 = arith.constant 0 : i32
    %dma_start3A_122 = tpu.memref_slice %arg3[%dma_start3A_120, %dma_start3A_121] : memref<1000000x128xf32, #tpu.memory_space<hbm>> -> memref<1000000x128xf32, #tpu.memory_space<hbm>>
    tpu.enqueue_indirect_dma source(%dma_start3A_122 : memref<1000000x128xf32, #tpu.memory_space<hbm>>) target(%dma_start3A_116 : memref<128x128xf32, #tpu.memory_space<vmem>>) offsets(%dma_start3A_119 : memref<128xi32, #tpu.memory_space<vmem>>) semaphore(%arg9 : memref<!tpu.dma_semaphore, #tpu.memory_space<semaphore_mem>>)
    %dma_wait3A_123 = arith.constant 4 : i32
    %dma_wait3A_124 = arith.constant 0 : i32
    %dma_wait3A_125 = arith.constant 0 : i32
    %dma_wait3A_126 = tpu.memref_slice %arg7[%dma_wait3A_124, %dma_wait3A_125] : memref<512x128xf32, #tpu.memory_space<vmem>> -> memref<128x128xf32, #tpu.memory_space<vmem>>
    %dma_wait3A_127 = arith.constant 0 : i32
    %dma_wait3A_128 = tpu.memref_slice %arg6[%dma_wait3A_123, %dma_wait3A_127] : memref<8x128xi32, #tpu.memory_space<vmem>> -> memref<1x128xi32, #tpu.memory_space<vmem>>
    %dma_wait3A_129 = tpu.memref_squeeze %dma_wait3A_128 : memref<1x128xi32, #tpu.memory_space<vmem>> -> memref<128xi32, #tpu.memory_space<vmem>>
    %dma_wait3A_130 = arith.constant 0 : i32
    %dma_wait3A_131 = arith.constant 0 : i32
    %dma_wait3A_132 = tpu.memref_slice %arg3[%dma_wait3A_130, %dma_wait3A_131] : memref<1000000x128xf32, #tpu.memory_space<hbm>> -> memref<1000000x128xf32, #tpu.memory_space<hbm>>
    tpu.wait_indirect_dma semaphore(%arg9 : memref<!tpu.dma_semaphore, #tpu.memory_space<semaphore_mem>>) src(%dma_wait3A_132 : memref<1000000x128xf32, #tpu.memory_space<hbm>>) dst(%dma_wait3A_126 : memref<128x128xf32, #tpu.memory_space<vmem>>)
    %dma_wait3A_133 = arith.constant 5 : i32
    %dma_wait3A_134 = arith.constant 128 : i32
    %dma_wait3A_135 = arith.constant 0 : i32
    %dma_wait3A_136 = tpu.memref_slice %arg7[%dma_wait3A_134, %dma_wait3A_135] : memref<512x128xf32, #tpu.memory_space<vmem>> -> memref<128x128xf32, #tpu.memory_space<vmem>>
    %dma_wait3A_137 = arith.constant 0 : i32
    %dma_wait3A_138 = tpu.memref_slice %arg6[%dma_wait3A_133, %dma_wait3A_137] : memref<8x128xi32, #tpu.memory_space<vmem>> -> memref<1x128xi32, #tpu.memory_space<vmem>>
    %dma_wait3A_139 = tpu.memref_squeeze %dma_wait3A_138 : memref<1x128xi32, #tpu.memory_space<vmem>> -> memref<128xi32, #tpu.memory_space<vmem>>
    %dma_wait3A_140 = arith.constant 0 : i32
    %dma_wait3A_141 = arith.constant 0 : i32
    %dma_wait3A_142 = tpu.memref_slice %arg3[%dma_wait3A_140, %dma_wait3A_141] : memref<1000000x128xf32, #tpu.memory_space<hbm>> -> memref<1000000x128xf32, #tpu.memory_space<hbm>>
    tpu.wait_indirect_dma semaphore(%arg9 : memref<!tpu.dma_semaphore, #tpu.memory_space<semaphore_mem>>) src(%dma_wait3A_142 : memref<1000000x128xf32, #tpu.memory_space<hbm>>) dst(%dma_wait3A_136 : memref<128x128xf32, #tpu.memory_space<vmem>>)
    %dma_wait3A_143 = arith.constant 6 : i32
    %dma_wait3A_144 = arith.constant 256 : i32
    %dma_wait3A_145 = arith.constant 0 : i32
    %dma_wait3A_146 = tpu.memref_slice %arg7[%dma_wait3A_144, %dma_wait3A_145] : memref<512x128xf32, #tpu.memory_space<vmem>> -> memref<128x128xf32, #tpu.memory_space<vmem>>
    %dma_wait3A_147 = arith.constant 0 : i32
    %dma_wait3A_148 = tpu.memref_slice %arg6[%dma_wait3A_143, %dma_wait3A_147] : memref<8x128xi32, #tpu.memory_space<vmem>> -> memref<1x128xi32, #tpu.memory_space<vmem>>
    %dma_wait3A_149 = tpu.memref_squeeze %dma_wait3A_148 : memref<1x128xi32, #tpu.memory_space<vmem>> -> memref<128xi32, #tpu.memory_space<vmem>>
    %dma_wait3A_150 = arith.constant 0 : i32
    %dma_wait3A_151 = arith.constant 0 : i32
    %dma_wait3A_152 = tpu.memref_slice %arg3[%dma_wait3A_150, %dma_wait3A_151] : memref<1000000x128xf32, #tpu.memory_space<hbm>> -> memref<1000000x128xf32, #tpu.memory_space<hbm>>
    tpu.wait_indirect_dma semaphore(%arg9 : memref<!tpu.dma_semaphore, #tpu.memory_space<semaphore_mem>>) src(%dma_wait3A_152 : memref<1000000x128xf32, #tpu.memory_space<hbm>>) dst(%dma_wait3A_146 : memref<128x128xf32, #tpu.memory_space<vmem>>)
    %dma_wait3A_153 = arith.constant 7 : i32
    %dma_wait3A_154 = arith.constant 384 : i32
    %dma_wait3A_155 = arith.constant 0 : i32
    %dma_wait3A_156 = tpu.memref_slice %arg7[%dma_wait3A_154, %dma_wait3A_155] : memref<512x128xf32, #tpu.memory_space<vmem>> -> memref<128x128xf32, #tpu.memory_space<vmem>>
    %dma_wait3A_157 = arith.constant 0 : i32
    %dma_wait3A_158 = tpu.memref_slice %arg6[%dma_wait3A_153, %dma_wait3A_157] : memref<8x128xi32, #tpu.memory_space<vmem>> -> memref<1x128xi32, #tpu.memory_space<vmem>>
    %dma_wait3A_159 = tpu.memref_squeeze %dma_wait3A_158 : memref<1x128xi32, #tpu.memory_space<vmem>> -> memref<128xi32, #tpu.memory_space<vmem>>
    %dma_wait3A_160 = arith.constant 0 : i32
    %dma_wait3A_161 = arith.constant 0 : i32
    %dma_wait3A_162 = tpu.memref_slice %arg3[%dma_wait3A_160, %dma_wait3A_161] : memref<1000000x128xf32, #tpu.memory_space<hbm>> -> memref<1000000x128xf32, #tpu.memory_space<hbm>>
    tpu.wait_indirect_dma semaphore(%arg9 : memref<!tpu.dma_semaphore, #tpu.memory_space<semaphore_mem>>) src(%dma_wait3A_162 : memref<1000000x128xf32, #tpu.memory_space<hbm>>) dst(%dma_wait3A_156 : memref<128x128xf32, #tpu.memory_space<vmem>>)
    %add3A_163 = arith.constant 512 : i32
    %add3A_164 = arith.addi %mul3A_2, %add3A_163 : i32
    "tpu.region"() ({
      %run_scoped3A = tpu.sem_alloc : memref<!tpu.dma_semaphore, #tpu.memory_space<semaphore_mem>>
      %dma_start3A_677 = arith.constant 0 : i32
      %dma_start3A_678 = tpu.memref_slice %arg4[%add3A_164, %dma_start3A_677] : memref<32768x128xf32, #tpu.memory_space<hbm>> -> memref<512x128xf32, #tpu.memory_space<hbm>>
      %dma_start3A_679 = arith.constant 0 : i32
      %dma_start3A_680 = tpu.memref_slice %arg4[%add3A_164, %dma_start3A_679] : memref<32768x128xf32, #tpu.memory_space<hbm>> -> memref<512x128xf32, #tpu.memory_space<hbm>>
      tpu.enqueue_dma source(%arg7 : memref<512x128xf32, #tpu.memory_space<vmem>>) target(%dma_start3A_680 : memref<512x128xf32, #tpu.memory_space<hbm>>) target_semaphore(%run_scoped3A : memref<!tpu.dma_semaphore, #tpu.memory_space<semaphore_mem>>)
      %dma_wait3A_681 = arith.constant 0 : i32
      %dma_wait3A_682 = tpu.memref_slice %arg4[%add3A_164, %dma_wait3A_681] : memref<32768x128xf32, #tpu.memory_space<hbm>> -> memref<512x128xf32, #tpu.memory_space<hbm>>
      %dma_wait3A_683 = arith.constant 0 : i32
      %dma_wait3A_684 = tpu.memref_slice %arg4[%add3A_164, %dma_wait3A_683] : memref<32768x128xf32, #tpu.memory_space<hbm>> -> memref<512x128xf32, #tpu.memory_space<hbm>>
      tpu.wait_dma2 semaphore(%run_scoped3A : memref<!tpu.dma_semaphore, #tpu.memory_space<semaphore_mem>>) src(%arg7 : memref<512x128xf32, #tpu.memory_space<vmem>>) dst(%dma_wait3A_684 : memref<512x128xf32, #tpu.memory_space<hbm>>)
      tpu.yield
    }) : () -> ()
    %rem3A = arith.constant 8192 : i32
    %rem3A_165 = arith.remsi %mul3A_2, %rem3A : i32
    %iota3A = tpu.iota {dimensions = array<i32: 0>} : vector<16xi32>
    %add3A_166 = arith.constant 0 : i32
    %add3A_167 = arith.addi %rem3A_165, %add3A_166 : i32
    %add3A_168 = vector.broadcast %add3A_167 : i32 to vector<16xi32>
    %add3A_169 = arith.addi %iota3A, %add3A_168 : vector<16xi32>
    %swap3A = arith.constant 0 : index
    %swap3A_170 = tpu.vector_load %arg8[%swap3A] {strides = array<i32>} : memref<1024xi32, #tpu.memory_space<vmem>>, vector<16xi32>,
    %swap3A_171 = vector.shape_cast %swap3A_170 : vector<16xi32> to vector<16xi32>
    %swap3A_172 = vector.shape_cast %add3A_169 : vector<16xi32> to vector<16xi32>
    tpu.vector_store %arg8[%swap3A], %swap3A_172 {strides = array<i32>} : memref<1024xi32, #tpu.memory_space<vmem>>, vector<16xi32>,
    %add3A_173 = arith.constant 16 : i32
    %add3A_174 = arith.addi %rem3A_165, %add3A_173 : i32
    %add3A_175 = vector.broadcast %add3A_174 : i32 to vector<16xi32>
    %add3A_176 = arith.addi %iota3A, %add3A_175 : vector<16xi32>
    %swap3A_177 = arith.constant 16 : index
    %swap3A_178 = tpu.vector_load %arg8[%swap3A_177] {strides = array<i32>} : memref<1024xi32, #tpu.memory_space<vmem>>, vector<16xi32>,
    %swap3A_179 = vector.shape_cast %swap3A_178 : vector<16xi32> to vector<16xi32>
    %swap3A_180 = vector.shape_cast %add3A_176 : vector<16xi32> to vector<16xi32>
    tpu.vector_store %arg8[%swap3A_177], %swap3A_180 {strides = array<i32>} : memref<1024xi32, #tpu.memory_space<vmem>>, vector<16xi32>,
    %add3A_181 = arith.constant 32 : i32
    %add3A_182 = arith.addi %rem3A_165, %add3A_181 : i32
    %add3A_183 = vector.broadcast %add3A_182 : i32 to vector<16xi32>
    %add3A_184 = arith.addi %iota3A, %add3A_183 : vector<16xi32>
    %swap3A_185 = arith.constant 32 : index
    %swap3A_186 = tpu.vector_load %arg8[%swap3A_185] {strides = array<i32>} : memref<1024xi32, #tpu.memory_space<vmem>>, vector<16xi32>,
    %swap3A_187 = vector.shape_cast %swap3A_186 : vector<16xi32> to vector<16xi32>
    %swap3A_188 = vector.shape_cast %add3A_184 : vector<16xi32> to vector<16xi32>
    tpu.vector_store %arg8[%swap3A_185], %swap3A_188 {strides = array<i32>} : memref<1024xi32, #tpu.memory_space<vmem>>, vector<16xi32>,
    %add3A_189 = arith.constant 48 : i32
    %add3A_190 = arith.addi %rem3A_165, %add3A_189 : i32
    %add3A_191 = vector.broadcast %add3A_190 : i32 to vector<16xi32>
    %add3A_192 = arith.addi %iota3A, %add3A_191 : vector<16xi32>
    %swap3A_193 = arith.constant 48 : index
    %swap3A_194 = tpu.vector_load %arg8[%swap3A_193] {strides = array<i32>} : memref<1024xi32, #tpu.memory_space<vmem>>, vector<16xi32>,
    %swap3A_195 = vector.shape_cast %swap3A_194 : vector<16xi32> to vector<16xi32>
    %swap3A_196 = vector.shape_cast %add3A_192 : vector<16xi32> to vector<16xi32>
    tpu.vector_store %arg8[%swap3A_193], %swap3A_196 {strides = array<i32>} : memref<1024xi32, #tpu.memory_space<vmem>>, vector<16xi32>,
    %add3A_197 = arith.constant 64 : i32
    %add3A_198 = arith.addi %rem3A_165, %add3A_197 : i32
    %add3A_199 = vector.broadcast %add3A_198 : i32 to vector<16xi32>
    %add3A_200 = arith.addi %iota3A, %add3A_199 : vector<16xi32>
    %swap3A_201 = arith.constant 64 : index
    %swap3A_202 = tpu.vector_load %arg8[%swap3A_201] {strides = array<i32>} : memref<1024xi32, #tpu.memory_space<vmem>>, vector<16xi32>,
    %swap3A_203 = vector.shape_cast %swap3A_202 : vector<16xi32> to vector<16xi32>
    %swap3A_204 = vector.shape_cast %add3A_200 : vector<16xi32> to vector<16xi32>
    tpu.vector_store %arg8[%swap3A_201], %swap3A_204 {strides = array<i32>} : memref<1024xi32, #tpu.memory_space<vmem>>, vector<16xi32>,
    %add3A_205 = arith.constant 80 : i32
    %add3A_206 = arith.addi %rem3A_165, %add3A_205 : i32
    %add3A_207 = vector.broadcast %add3A_206 : i32 to vector<16xi32>
    %add3A_208 = arith.addi %iota3A, %add3A_207 : vector<16xi32>
    %swap3A_209 = arith.constant 80 : index
    %swap3A_210 = tpu.vector_load %arg8[%swap3A_209] {strides = array<i32>} : memref<1024xi32, #tpu.memory_space<vmem>>, vector<16xi32>,
    %swap3A_211 = vector.shape_cast %swap3A_210 : vector<16xi32> to vector<16xi32>
    %swap3A_212 = vector.shape_cast %add3A_208 : vector<16xi32> to vector<16xi32>
    tpu.vector_store %arg8[%swap3A_209], %swap3A_212 {strides = array<i32>} : memref<1024xi32, #tpu.memory_space<vmem>>, vector<16xi32>,
    %add3A_213 = arith.constant 96 : i32
    %add3A_214 = arith.addi %rem3A_165, %add3A_213 : i32
    %add3A_215 = vector.broadcast %add3A_214 : i32 to vector<16xi32>
    %add3A_216 = arith.addi %iota3A, %add3A_215 : vector<16xi32>
    %swap3A_217 = arith.constant 96 : index
    %swap3A_218 = tpu.vector_load %arg8[%swap3A_217] {strides = array<i32>} : memref<1024xi32, #tpu.memory_space<vmem>>, vector<16xi32>,
    %swap3A_219 = vector.shape_cast %swap3A_218 : vector<16xi32> to vector<16xi32>
    %swap3A_220 = vector.shape_cast %add3A_216 : vector<16xi32> to vector<16xi32>
    tpu.vector_store %arg8[%swap3A_217], %swap3A_220 {strides = array<i32>} : memref<1024xi32, #tpu.memory_space<vmem>>, vector<16xi32>,
    %add3A_221 = arith.constant 112 : i32
    %add3A_222 = arith.addi %rem3A_165, %add3A_221 : i32
    %add3A_223 = vector.broadcast %add3A_222 : i32 to vector<16xi32>
    %add3A_224 = arith.addi %iota3A, %add3A_223 : vector<16xi32>
    %swap3A_225 = arith.constant 112 : index
    %swap3A_226 = tpu.vector_load %arg8[%swap3A_225] {strides = array<i32>} : memref<1024xi32, #tpu.memory_space<vmem>>, vector<16xi32>,
    %swap3A_227 = vector.shape_cast %swap3A_226 : vector<16xi32> to vector<16xi32>
    %swap3A_228 = vector.shape_cast %add3A_224 : vector<16xi32> to vector<16xi32>
    tpu.vector_store %arg8[%swap3A_225], %swap3A_228 {strides = array<i32>} : memref<1024xi32, #tpu.memory_space<vmem>>, vector<16xi32>,
    %add3A_229 = arith.constant 128 : i32
    %add3A_230 = arith.addi %rem3A_165, %add3A_229 : i32
    %add3A_231 = vector.broadcast %add3A_230 : i32 to vector<16xi32>
    %add3A_232 = arith.addi %iota3A, %add3A_231 : vector<16xi32>
    %swap3A_233 = arith.constant 128 : index
    %swap3A_234 = tpu.vector_load %arg8[%swap3A_233] {strides = array<i32>} : memref<1024xi32, #tpu.memory_space<vmem>>, vector<16xi32>,
    %swap3A_235 = vector.shape_cast %swap3A_234 : vector<16xi32> to vector<16xi32>
    %swap3A_236 = vector.shape_cast %add3A_232 : vector<16xi32> to vector<16xi32>
    tpu.vector_store %arg8[%swap3A_233], %swap3A_236 {strides = array<i32>} : memref<1024xi32, #tpu.memory_space<vmem>>, vector<16xi32>,
    %add3A_237 = arith.constant 144 : i32
    %add3A_238 = arith.addi %rem3A_165, %add3A_237 : i32
    %add3A_239 = vector.broadcast %add3A_238 : i32 to vector<16xi32>
    %add3A_240 = arith.addi %iota3A, %add3A_239 : vector<16xi32>
    %swap3A_241 = arith.constant 144 : index
    %swap3A_242 = tpu.vector_load %arg8[%swap3A_241] {strides = array<i32>} : memref<1024xi32, #tpu.memory_space<vmem>>, vector<16xi32>,
    %swap3A_243 = vector.shape_cast %swap3A_242 : vector<16xi32> to vector<16xi32>
    %swap3A_244 = vector.shape_cast %add3A_240 : vector<16xi32> to vector<16xi32>
    tpu.vector_store %arg8[%swap3A_241], %swap3A_244 {strides = array<i32>} : memref<1024xi32, #tpu.memory_space<vmem>>, vector<16xi32>,
    %add3A_245 = arith.constant 160 : i32
    %add3A_246 = arith.addi %rem3A_165, %add3A_245 : i32
    %add3A_247 = vector.broadcast %add3A_246 : i32 to vector<16xi32>
    %add3A_248 = arith.addi %iota3A, %add3A_247 : vector<16xi32>
    %swap3A_249 = arith.constant 160 : index
    %swap3A_250 = tpu.vector_load %arg8[%swap3A_249] {strides = array<i32>} : memref<1024xi32, #tpu.memory_space<vmem>>, vector<16xi32>,
    %swap3A_251 = vector.shape_cast %swap3A_250 : vector<16xi32> to vector<16xi32>
    %swap3A_252 = vector.shape_cast %add3A_248 : vector<16xi32> to vector<16xi32>
    tpu.vector_store %arg8[%swap3A_249], %swap3A_252 {strides = array<i32>} : memref<1024xi32, #tpu.memory_space<vmem>>, vector<16xi32>,
    %add3A_253 = arith.constant 176 : i32
    %add3A_254 = arith.addi %rem3A_165, %add3A_253 : i32
    %add3A_255 = vector.broadcast %add3A_254 : i32 to vector<16xi32>
    %add3A_256 = arith.addi %iota3A, %add3A_255 : vector<16xi32>
    %swap3A_257 = arith.constant 176 : index
    %swap3A_258 = tpu.vector_load %arg8[%swap3A_257] {strides = array<i32>} : memref<1024xi32, #tpu.memory_space<vmem>>, vector<16xi32>,
    %swap3A_259 = vector.shape_cast %swap3A_258 : vector<16xi32> to vector<16xi32>
    %swap3A_260 = vector.shape_cast %add3A_256 : vector<16xi32> to vector<16xi32>
    tpu.vector_store %arg8[%swap3A_257], %swap3A_260 {strides = array<i32>} : memref<1024xi32, #tpu.memory_space<vmem>>, vector<16xi32>,
    %add3A_261 = arith.constant 192 : i32
    %add3A_262 = arith.addi %rem3A_165, %add3A_261 : i32
    %add3A_263 = vector.broadcast %add3A_262 : i32 to vector<16xi32>
    %add3A_264 = arith.addi %iota3A, %add3A_263 : vector<16xi32>
    %swap3A_265 = arith.constant 192 : index
    %swap3A_266 = tpu.vector_load %arg8[%swap3A_265] {strides = array<i32>} : memref<1024xi32, #tpu.memory_space<vmem>>, vector<16xi32>,
    %swap3A_267 = vector.shape_cast %swap3A_266 : vector<16xi32> to vector<16xi32>
    %swap3A_268 = vector.shape_cast %add3A_264 : vector<16xi32> to vector<16xi32>
    tpu.vector_store %arg8[%swap3A_265], %swap3A_268 {strides = array<i32>} : memref<1024xi32, #tpu.memory_space<vmem>>, vector<16xi32>,
    %add3A_269 = arith.constant 208 : i32
    %add3A_270 = arith.addi %rem3A_165, %add3A_269 : i32
    %add3A_271 = vector.broadcast %add3A_270 : i32 to vector<16xi32>
    %add3A_272 = arith.addi %iota3A, %add3A_271 : vector<16xi32>
    %swap3A_273 = arith.constant 208 : index
    %swap3A_274 = tpu.vector_load %arg8[%swap3A_273] {strides = array<i32>} : memref<1024xi32, #tpu.memory_space<vmem>>, vector<16xi32>,
    %swap3A_275 = vector.shape_cast %swap3A_274 : vector<16xi32> to vector<16xi32>
    %swap3A_276 = vector.shape_cast %add3A_272 : vector<16xi32> to vector<16xi32>
    tpu.vector_store %arg8[%swap3A_273], %swap3A_276 {strides = array<i32>} : memref<1024xi32, #tpu.memory_space<vmem>>, vector<16xi32>,
    %add3A_277 = arith.constant 224 : i32
    %add3A_278 = arith.addi %rem3A_165, %add3A_277 : i32
    %add3A_279 = vector.broadcast %add3A_278 : i32 to vector<16xi32>
    %add3A_280 = arith.addi %iota3A, %add3A_279 : vector<16xi32>
    %swap3A_281 = arith.constant 224 : index
    %swap3A_282 = tpu.vector_load %arg8[%swap3A_281] {strides = array<i32>} : memref<1024xi32, #tpu.memory_space<vmem>>, vector<16xi32>,
    %swap3A_283 = vector.shape_cast %swap3A_282 : vector<16xi32> to vector<16xi32>
    %swap3A_284 = vector.shape_cast %add3A_280 : vector<16xi32> to vector<16xi32>
    tpu.vector_store %arg8[%swap3A_281], %swap3A_284 {strides = array<i32>} : memref<1024xi32, #tpu.memory_space<vmem>>, vector<16xi32>,
    %add3A_285 = arith.constant 240 : i32
    %add3A_286 = arith.addi %rem3A_165, %add3A_285 : i32
    %add3A_287 = vector.broadcast %add3A_286 : i32 to vector<16xi32>
    %add3A_288 = arith.addi %iota3A, %add3A_287 : vector<16xi32>
    %swap3A_289 = arith.constant 240 : index
    %swap3A_290 = tpu.vector_load %arg8[%swap3A_289] {strides = array<i32>} : memref<1024xi32, #tpu.memory_space<vmem>>, vector<16xi32>,
    %swap3A_291 = vector.shape_cast %swap3A_290 : vector<16xi32> to vector<16xi32>
    %swap3A_292 = vector.shape_cast %add3A_288 : vector<16xi32> to vector<16xi32>
    tpu.vector_store %arg8[%swap3A_289], %swap3A_292 {strides = array<i32>} : memref<1024xi32, #tpu.memory_space<vmem>>, vector<16xi32>,
    %add3A_293 = arith.constant 256 : i32
    %add3A_294 = arith.addi %rem3A_165, %add3A_293 : i32
    %add3A_295 = vector.broadcast %add3A_294 : i32 to vector<16xi32>
    %add3A_296 = arith.addi %iota3A, %add3A_295 : vector<16xi32>
    %swap3A_297 = arith.constant 256 : index
    %swap3A_298 = tpu.vector_load %arg8[%swap3A_297] {strides = array<i32>} : memref<1024xi32, #tpu.memory_space<vmem>>, vector<16xi32>,
    %swap3A_299 = vector.shape_cast %swap3A_298 : vector<16xi32> to vector<16xi32>
    %swap3A_300 = vector.shape_cast %add3A_296 : vector<16xi32> to vector<16xi32>
    tpu.vector_store %arg8[%swap3A_297], %swap3A_300 {strides = array<i32>} : memref<1024xi32, #tpu.memory_space<vmem>>, vector<16xi32>,
    %add3A_301 = arith.constant 272 : i32
    %add3A_302 = arith.addi %rem3A_165, %add3A_301 : i32
    %add3A_303 = vector.broadcast %add3A_302 : i32 to vector<16xi32>
    %add3A_304 = arith.addi %iota3A, %add3A_303 : vector<16xi32>
    %swap3A_305 = arith.constant 272 : index
    %swap3A_306 = tpu.vector_load %arg8[%swap3A_305] {strides = array<i32>} : memref<1024xi32, #tpu.memory_space<vmem>>, vector<16xi32>,
    %swap3A_307 = vector.shape_cast %swap3A_306 : vector<16xi32> to vector<16xi32>
    %swap3A_308 = vector.shape_cast %add3A_304 : vector<16xi32> to vector<16xi32>
    tpu.vector_store %arg8[%swap3A_305], %swap3A_308 {strides = array<i32>} : memref<1024xi32, #tpu.memory_space<vmem>>, vector<16xi32>,
    %add3A_309 = arith.constant 288 : i32
    %add3A_310 = arith.addi %rem3A_165, %add3A_309 : i32
    %add3A_311 = vector.broadcast %add3A_310 : i32 to vector<16xi32>
    %add3A_312 = arith.addi %iota3A, %add3A_311 : vector<16xi32>
    %swap3A_313 = arith.constant 288 : index
    %swap3A_314 = tpu.vector_load %arg8[%swap3A_313] {strides = array<i32>} : memref<1024xi32, #tpu.memory_space<vmem>>, vector<16xi32>,
    %swap3A_315 = vector.shape_cast %swap3A_314 : vector<16xi32> to vector<16xi32>
    %swap3A_316 = vector.shape_cast %add3A_312 : vector<16xi32> to vector<16xi32>
    tpu.vector_store %arg8[%swap3A_313], %swap3A_316 {strides = array<i32>} : memref<1024xi32, #tpu.memory_space<vmem>>, vector<16xi32>,
    %add3A_317 = arith.constant 304 : i32
    %add3A_318 = arith.addi %rem3A_165, %add3A_317 : i32
    %add3A_319 = vector.broadcast %add3A_318 : i32 to vector<16xi32>
    %add3A_320 = arith.addi %iota3A, %add3A_319 : vector<16xi32>
    %swap3A_321 = arith.constant 304 : index
    %swap3A_322 = tpu.vector_load %arg8[%swap3A_321] {strides = array<i32>} : memref<1024xi32, #tpu.memory_space<vmem>>, vector<16xi32>,
    %swap3A_323 = vector.shape_cast %swap3A_322 : vector<16xi32> to vector<16xi32>
    %swap3A_324 = vector.shape_cast %add3A_320 : vector<16xi32> to vector<16xi32>
    tpu.vector_store %arg8[%swap3A_321], %swap3A_324 {strides = array<i32>} : memref<1024xi32, #tpu.memory_space<vmem>>, vector<16xi32>,
    %add3A_325 = arith.constant 320 : i32
    %add3A_326 = arith.addi %rem3A_165, %add3A_325 : i32
    %add3A_327 = vector.broadcast %add3A_326 : i32 to vector<16xi32>
    %add3A_328 = arith.addi %iota3A, %add3A_327 : vector<16xi32>
    %swap3A_329 = arith.constant 320 : index
    %swap3A_330 = tpu.vector_load %arg8[%swap3A_329] {strides = array<i32>} : memref<1024xi32, #tpu.memory_space<vmem>>, vector<16xi32>,
    %swap3A_331 = vector.shape_cast %swap3A_330 : vector<16xi32> to vector<16xi32>
    %swap3A_332 = vector.shape_cast %add3A_328 : vector<16xi32> to vector<16xi32>
    tpu.vector_store %arg8[%swap3A_329], %swap3A_332 {strides = array<i32>} : memref<1024xi32, #tpu.memory_space<vmem>>, vector<16xi32>,
    %add3A_333 = arith.constant 336 : i32
    %add3A_334 = arith.addi %rem3A_165, %add3A_333 : i32
    %add3A_335 = vector.broadcast %add3A_334 : i32 to vector<16xi32>
    %add3A_336 = arith.addi %iota3A, %add3A_335 : vector<16xi32>
    %swap3A_337 = arith.constant 336 : index
    %swap3A_338 = tpu.vector_load %arg8[%swap3A_337] {strides = array<i32>} : memref<1024xi32, #tpu.memory_space<vmem>>, vector<16xi32>,
    %swap3A_339 = vector.shape_cast %swap3A_338 : vector<16xi32> to vector<16xi32>
    %swap3A_340 = vector.shape_cast %add3A_336 : vector<16xi32> to vector<16xi32>
    tpu.vector_store %arg8[%swap3A_337], %swap3A_340 {strides = array<i32>} : memref<1024xi32, #tpu.memory_space<vmem>>, vector<16xi32>,
    %add3A_341 = arith.constant 352 : i32
    %add3A_342 = arith.addi %rem3A_165, %add3A_341 : i32
    %add3A_343 = vector.broadcast %add3A_342 : i32 to vector<16xi32>
    %add3A_344 = arith.addi %iota3A, %add3A_343 : vector<16xi32>
    %swap3A_345 = arith.constant 352 : index
    %swap3A_346 = tpu.vector_load %arg8[%swap3A_345] {strides = array<i32>} : memref<1024xi32, #tpu.memory_space<vmem>>, vector<16xi32>,
    %swap3A_347 = vector.shape_cast %swap3A_346 : vector<16xi32> to vector<16xi32>
    %swap3A_348 = vector.shape_cast %add3A_344 : vector<16xi32> to vector<16xi32>
    tpu.vector_store %arg8[%swap3A_345], %swap3A_348 {strides = array<i32>} : memref<1024xi32, #tpu.memory_space<vmem>>, vector<16xi32>,
    %add3A_349 = arith.constant 368 : i32
    %add3A_350 = arith.addi %rem3A_165, %add3A_349 : i32
    %add3A_351 = vector.broadcast %add3A_350 : i32 to vector<16xi32>
    %add3A_352 = arith.addi %iota3A, %add3A_351 : vector<16xi32>
    %swap3A_353 = arith.constant 368 : index
    %swap3A_354 = tpu.vector_load %arg8[%swap3A_353] {strides = array<i32>} : memref<1024xi32, #tpu.memory_space<vmem>>, vector<16xi32>,
    %swap3A_355 = vector.shape_cast %swap3A_354 : vector<16xi32> to vector<16xi32>
    %swap3A_356 = vector.shape_cast %add3A_352 : vector<16xi32> to vector<16xi32>
    tpu.vector_store %arg8[%swap3A_353], %swap3A_356 {strides = array<i32>} : memref<1024xi32, #tpu.memory_space<vmem>>, vector<16xi32>,
    %add3A_357 = arith.constant 384 : i32
    %add3A_358 = arith.addi %rem3A_165, %add3A_357 : i32
    %add3A_359 = vector.broadcast %add3A_358 : i32 to vector<16xi32>
    %add3A_360 = arith.addi %iota3A, %add3A_359 : vector<16xi32>
    %swap3A_361 = arith.constant 384 : index
    %swap3A_362 = tpu.vector_load %arg8[%swap3A_361] {strides = array<i32>} : memref<1024xi32, #tpu.memory_space<vmem>>, vector<16xi32>,
    %swap3A_363 = vector.shape_cast %swap3A_362 : vector<16xi32> to vector<16xi32>
    %swap3A_364 = vector.shape_cast %add3A_360 : vector<16xi32> to vector<16xi32>
    tpu.vector_store %arg8[%swap3A_361], %swap3A_364 {strides = array<i32>} : memref<1024xi32, #tpu.memory_space<vmem>>, vector<16xi32>,
    %add3A_365 = arith.constant 400 : i32
    %add3A_366 = arith.addi %rem3A_165, %add3A_365 : i32
    %add3A_367 = vector.broadcast %add3A_366 : i32 to vector<16xi32>
    %add3A_368 = arith.addi %iota3A, %add3A_367 : vector<16xi32>
    %swap3A_369 = arith.constant 400 : index
    %swap3A_370 = tpu.vector_load %arg8[%swap3A_369] {strides = array<i32>} : memref<1024xi32, #tpu.memory_space<vmem>>, vector<16xi32>,
    %swap3A_371 = vector.shape_cast %swap3A_370 : vector<16xi32> to vector<16xi32>
    %swap3A_372 = vector.shape_cast %add3A_368 : vector<16xi32> to vector<16xi32>
    tpu.vector_store %arg8[%swap3A_369], %swap3A_372 {strides = array<i32>} : memref<1024xi32, #tpu.memory_space<vmem>>, vector<16xi32>,
    %add3A_373 = arith.constant 416 : i32
    %add3A_374 = arith.addi %rem3A_165, %add3A_373 : i32
    %add3A_375 = vector.broadcast %add3A_374 : i32 to vector<16xi32>
    %add3A_376 = arith.addi %iota3A, %add3A_375 : vector<16xi32>
    %swap3A_377 = arith.constant 416 : index
    %swap3A_378 = tpu.vector_load %arg8[%swap3A_377] {strides = array<i32>} : memref<1024xi32, #tpu.memory_space<vmem>>, vector<16xi32>,
    %swap3A_379 = vector.shape_cast %swap3A_378 : vector<16xi32> to vector<16xi32>
    %swap3A_380 = vector.shape_cast %add3A_376 : vector<16xi32> to vector<16xi32>
    tpu.vector_store %arg8[%swap3A_377], %swap3A_380 {strides = array<i32>} : memref<1024xi32, #tpu.memory_space<vmem>>, vector<16xi32>,
    %add3A_381 = arith.constant 432 : i32
    %add3A_382 = arith.addi %rem3A_165, %add3A_381 : i32
    %add3A_383 = vector.broadcast %add3A_382 : i32 to vector<16xi32>
    %add3A_384 = arith.addi %iota3A, %add3A_383 : vector<16xi32>
    %swap3A_385 = arith.constant 432 : index
    %swap3A_386 = tpu.vector_load %arg8[%swap3A_385] {strides = array<i32>} : memref<1024xi32, #tpu.memory_space<vmem>>, vector<16xi32>,
    %swap3A_387 = vector.shape_cast %swap3A_386 : vector<16xi32> to vector<16xi32>
    %swap3A_388 = vector.shape_cast %add3A_384 : vector<16xi32> to vector<16xi32>
    tpu.vector_store %arg8[%swap3A_385], %swap3A_388 {strides = array<i32>} : memref<1024xi32, #tpu.memory_space<vmem>>, vector<16xi32>,
    %add3A_389 = arith.constant 448 : i32
    %add3A_390 = arith.addi %rem3A_165, %add3A_389 : i32
    %add3A_391 = vector.broadcast %add3A_390 : i32 to vector<16xi32>
    %add3A_392 = arith.addi %iota3A, %add3A_391 : vector<16xi32>
    %swap3A_393 = arith.constant 448 : index
    %swap3A_394 = tpu.vector_load %arg8[%swap3A_393] {strides = array<i32>} : memref<1024xi32, #tpu.memory_space<vmem>>, vector<16xi32>,
    %swap3A_395 = vector.shape_cast %swap3A_394 : vector<16xi32> to vector<16xi32>
    %swap3A_396 = vector.shape_cast %add3A_392 : vector<16xi32> to vector<16xi32>
    tpu.vector_store %arg8[%swap3A_393], %swap3A_396 {strides = array<i32>} : memref<1024xi32, #tpu.memory_space<vmem>>, vector<16xi32>,
    %add3A_397 = arith.constant 464 : i32
    %add3A_398 = arith.addi %rem3A_165, %add3A_397 : i32
    %add3A_399 = vector.broadcast %add3A_398 : i32 to vector<16xi32>
    %add3A_400 = arith.addi %iota3A, %add3A_399 : vector<16xi32>
    %swap3A_401 = arith.constant 464 : index
    %swap3A_402 = tpu.vector_load %arg8[%swap3A_401] {strides = array<i32>} : memref<1024xi32, #tpu.memory_space<vmem>>, vector<16xi32>,
    %swap3A_403 = vector.shape_cast %swap3A_402 : vector<16xi32> to vector<16xi32>
    %swap3A_404 = vector.shape_cast %add3A_400 : vector<16xi32> to vector<16xi32>
    tpu.vector_store %arg8[%swap3A_401], %swap3A_404 {strides = array<i32>} : memref<1024xi32, #tpu.memory_space<vmem>>, vector<16xi32>,
    %add3A_405 = arith.constant 480 : i32
    %add3A_406 = arith.addi %rem3A_165, %add3A_405 : i32
    %add3A_407 = vector.broadcast %add3A_406 : i32 to vector<16xi32>
    %add3A_408 = arith.addi %iota3A, %add3A_407 : vector<16xi32>
    %swap3A_409 = arith.constant 480 : index
    %swap3A_410 = tpu.vector_load %arg8[%swap3A_409] {strides = array<i32>} : memref<1024xi32, #tpu.memory_space<vmem>>, vector<16xi32>,
    %swap3A_411 = vector.shape_cast %swap3A_410 : vector<16xi32> to vector<16xi32>
    %swap3A_412 = vector.shape_cast %add3A_408 : vector<16xi32> to vector<16xi32>
    tpu.vector_store %arg8[%swap3A_409], %swap3A_412 {strides = array<i32>} : memref<1024xi32, #tpu.memory_space<vmem>>, vector<16xi32>,
    %add3A_413 = arith.constant 496 : i32
    %add3A_414 = arith.addi %rem3A_165, %add3A_413 : i32
    %add3A_415 = vector.broadcast %add3A_414 : i32 to vector<16xi32>
    %add3A_416 = arith.addi %iota3A, %add3A_415 : vector<16xi32>
    %swap3A_417 = arith.constant 496 : index
    %swap3A_418 = tpu.vector_load %arg8[%swap3A_417] {strides = array<i32>} : memref<1024xi32, #tpu.memory_space<vmem>>, vector<16xi32>,
    %swap3A_419 = vector.shape_cast %swap3A_418 : vector<16xi32> to vector<16xi32>
    %swap3A_420 = vector.shape_cast %add3A_416 : vector<16xi32> to vector<16xi32>
    tpu.vector_store %arg8[%swap3A_417], %swap3A_420 {strides = array<i32>} : memref<1024xi32, #tpu.memory_space<vmem>>, vector<16xi32>,
    %add3A_421 = arith.constant 512 : i32
    %add3A_422 = arith.addi %rem3A_165, %add3A_421 : i32
    %add3A_423 = vector.broadcast %add3A_422 : i32 to vector<16xi32>
    %add3A_424 = arith.addi %iota3A, %add3A_423 : vector<16xi32>
    %swap3A_425 = arith.constant 512 : index
    %swap3A_426 = tpu.vector_load %arg8[%swap3A_425] {strides = array<i32>} : memref<1024xi32, #tpu.memory_space<vmem>>, vector<16xi32>,
    %swap3A_427 = vector.shape_cast %swap3A_426 : vector<16xi32> to vector<16xi32>
    %swap3A_428 = vector.shape_cast %add3A_424 : vector<16xi32> to vector<16xi32>
    tpu.vector_store %arg8[%swap3A_425], %swap3A_428 {strides = array<i32>} : memref<1024xi32, #tpu.memory_space<vmem>>, vector<16xi32>,
    %add3A_429 = arith.constant 528 : i32
    %add3A_430 = arith.addi %rem3A_165, %add3A_429 : i32
    %add3A_431 = vector.broadcast %add3A_430 : i32 to vector<16xi32>
    %add3A_432 = arith.addi %iota3A, %add3A_431 : vector<16xi32>
    %swap3A_433 = arith.constant 528 : index
    %swap3A_434 = tpu.vector_load %arg8[%swap3A_433] {strides = array<i32>} : memref<1024xi32, #tpu.memory_space<vmem>>, vector<16xi32>,
    %swap3A_435 = vector.shape_cast %swap3A_434 : vector<16xi32> to vector<16xi32>
    %swap3A_436 = vector.shape_cast %add3A_432 : vector<16xi32> to vector<16xi32>
    tpu.vector_store %arg8[%swap3A_433], %swap3A_436 {strides = array<i32>} : memref<1024xi32, #tpu.memory_space<vmem>>, vector<16xi32>,
    %add3A_437 = arith.constant 544 : i32
    %add3A_438 = arith.addi %rem3A_165, %add3A_437 : i32
    %add3A_439 = vector.broadcast %add3A_438 : i32 to vector<16xi32>
    %add3A_440 = arith.addi %iota3A, %add3A_439 : vector<16xi32>
    %swap3A_441 = arith.constant 544 : index
    %swap3A_442 = tpu.vector_load %arg8[%swap3A_441] {strides = array<i32>} : memref<1024xi32, #tpu.memory_space<vmem>>, vector<16xi32>,
    %swap3A_443 = vector.shape_cast %swap3A_442 : vector<16xi32> to vector<16xi32>
    %swap3A_444 = vector.shape_cast %add3A_440 : vector<16xi32> to vector<16xi32>
    tpu.vector_store %arg8[%swap3A_441], %swap3A_444 {strides = array<i32>} : memref<1024xi32, #tpu.memory_space<vmem>>, vector<16xi32>,
    %add3A_445 = arith.constant 560 : i32
    %add3A_446 = arith.addi %rem3A_165, %add3A_445 : i32
    %add3A_447 = vector.broadcast %add3A_446 : i32 to vector<16xi32>
    %add3A_448 = arith.addi %iota3A, %add3A_447 : vector<16xi32>
    %swap3A_449 = arith.constant 560 : index
    %swap3A_450 = tpu.vector_load %arg8[%swap3A_449] {strides = array<i32>} : memref<1024xi32, #tpu.memory_space<vmem>>, vector<16xi32>,
    %swap3A_451 = vector.shape_cast %swap3A_450 : vector<16xi32> to vector<16xi32>
    %swap3A_452 = vector.shape_cast %add3A_448 : vector<16xi32> to vector<16xi32>
    tpu.vector_store %arg8[%swap3A_449], %swap3A_452 {strides = array<i32>} : memref<1024xi32, #tpu.memory_space<vmem>>, vector<16xi32>,
    %add3A_453 = arith.constant 576 : i32
    %add3A_454 = arith.addi %rem3A_165, %add3A_453 : i32
    %add3A_455 = vector.broadcast %add3A_454 : i32 to vector<16xi32>
    %add3A_456 = arith.addi %iota3A, %add3A_455 : vector<16xi32>
    %swap3A_457 = arith.constant 576 : index
    %swap3A_458 = tpu.vector_load %arg8[%swap3A_457] {strides = array<i32>} : memref<1024xi32, #tpu.memory_space<vmem>>, vector<16xi32>,
    %swap3A_459 = vector.shape_cast %swap3A_458 : vector<16xi32> to vector<16xi32>
    %swap3A_460 = vector.shape_cast %add3A_456 : vector<16xi32> to vector<16xi32>
    tpu.vector_store %arg8[%swap3A_457], %swap3A_460 {strides = array<i32>} : memref<1024xi32, #tpu.memory_space<vmem>>, vector<16xi32>,
    %add3A_461 = arith.constant 592 : i32
    %add3A_462 = arith.addi %rem3A_165, %add3A_461 : i32
    %add3A_463 = vector.broadcast %add3A_462 : i32 to vector<16xi32>
    %add3A_464 = arith.addi %iota3A, %add3A_463 : vector<16xi32>
    %swap3A_465 = arith.constant 592 : index
    %swap3A_466 = tpu.vector_load %arg8[%swap3A_465] {strides = array<i32>} : memref<1024xi32, #tpu.memory_space<vmem>>, vector<16xi32>,
    %swap3A_467 = vector.shape_cast %swap3A_466 : vector<16xi32> to vector<16xi32>
    %swap3A_468 = vector.shape_cast %add3A_464 : vector<16xi32> to vector<16xi32>
    tpu.vector_store %arg8[%swap3A_465], %swap3A_468 {strides = array<i32>} : memref<1024xi32, #tpu.memory_space<vmem>>, vector<16xi32>,
    %add3A_469 = arith.constant 608 : i32
    %add3A_470 = arith.addi %rem3A_165, %add3A_469 : i32
    %add3A_471 = vector.broadcast %add3A_470 : i32 to vector<16xi32>
    %add3A_472 = arith.addi %iota3A, %add3A_471 : vector<16xi32>
    %swap3A_473 = arith.constant 608 : index
    %swap3A_474 = tpu.vector_load %arg8[%swap3A_473] {strides = array<i32>} : memref<1024xi32, #tpu.memory_space<vmem>>, vector<16xi32>,
    %swap3A_475 = vector.shape_cast %swap3A_474 : vector<16xi32> to vector<16xi32>
    %swap3A_476 = vector.shape_cast %add3A_472 : vector<16xi32> to vector<16xi32>
    tpu.vector_store %arg8[%swap3A_473], %swap3A_476 {strides = array<i32>} : memref<1024xi32, #tpu.memory_space<vmem>>, vector<16xi32>,
    %add3A_477 = arith.constant 624 : i32
    %add3A_478 = arith.addi %rem3A_165, %add3A_477 : i32
    %add3A_479 = vector.broadcast %add3A_478 : i32 to vector<16xi32>
    %add3A_480 = arith.addi %iota3A, %add3A_479 : vector<16xi32>
    %swap3A_481 = arith.constant 624 : index
    %swap3A_482 = tpu.vector_load %arg8[%swap3A_481] {strides = array<i32>} : memref<1024xi32, #tpu.memory_space<vmem>>, vector<16xi32>,
    %swap3A_483 = vector.shape_cast %swap3A_482 : vector<16xi32> to vector<16xi32>
    %swap3A_484 = vector.shape_cast %add3A_480 : vector<16xi32> to vector<16xi32>
    tpu.vector_store %arg8[%swap3A_481], %swap3A_484 {strides = array<i32>} : memref<1024xi32, #tpu.memory_space<vmem>>, vector<16xi32>,
    %add3A_485 = arith.constant 640 : i32
    %add3A_486 = arith.addi %rem3A_165, %add3A_485 : i32
    %add3A_487 = vector.broadcast %add3A_486 : i32 to vector<16xi32>
    %add3A_488 = arith.addi %iota3A, %add3A_487 : vector<16xi32>
    %swap3A_489 = arith.constant 640 : index
    %swap3A_490 = tpu.vector_load %arg8[%swap3A_489] {strides = array<i32>} : memref<1024xi32, #tpu.memory_space<vmem>>, vector<16xi32>,
    %swap3A_491 = vector.shape_cast %swap3A_490 : vector<16xi32> to vector<16xi32>
    %swap3A_492 = vector.shape_cast %add3A_488 : vector<16xi32> to vector<16xi32>
    tpu.vector_store %arg8[%swap3A_489], %swap3A_492 {strides = array<i32>} : memref<1024xi32, #tpu.memory_space<vmem>>, vector<16xi32>,
    %add3A_493 = arith.constant 656 : i32
    %add3A_494 = arith.addi %rem3A_165, %add3A_493 : i32
    %add3A_495 = vector.broadcast %add3A_494 : i32 to vector<16xi32>
    %add3A_496 = arith.addi %iota3A, %add3A_495 : vector<16xi32>
    %swap3A_497 = arith.constant 656 : index
    %swap3A_498 = tpu.vector_load %arg8[%swap3A_497] {strides = array<i32>} : memref<1024xi32, #tpu.memory_space<vmem>>, vector<16xi32>,
    %swap3A_499 = vector.shape_cast %swap3A_498 : vector<16xi32> to vector<16xi32>
    %swap3A_500 = vector.shape_cast %add3A_496 : vector<16xi32> to vector<16xi32>
    tpu.vector_store %arg8[%swap3A_497], %swap3A_500 {strides = array<i32>} : memref<1024xi32, #tpu.memory_space<vmem>>, vector<16xi32>,
    %add3A_501 = arith.constant 672 : i32
    %add3A_502 = arith.addi %rem3A_165, %add3A_501 : i32
    %add3A_503 = vector.broadcast %add3A_502 : i32 to vector<16xi32>
    %add3A_504 = arith.addi %iota3A, %add3A_503 : vector<16xi32>
    %swap3A_505 = arith.constant 672 : index
    %swap3A_506 = tpu.vector_load %arg8[%swap3A_505] {strides = array<i32>} : memref<1024xi32, #tpu.memory_space<vmem>>, vector<16xi32>,
    %swap3A_507 = vector.shape_cast %swap3A_506 : vector<16xi32> to vector<16xi32>
    %swap3A_508 = vector.shape_cast %add3A_504 : vector<16xi32> to vector<16xi32>
    tpu.vector_store %arg8[%swap3A_505], %swap3A_508 {strides = array<i32>} : memref<1024xi32, #tpu.memory_space<vmem>>, vector<16xi32>,
    %add3A_509 = arith.constant 688 : i32
    %add3A_510 = arith.addi %rem3A_165, %add3A_509 : i32
    %add3A_511 = vector.broadcast %add3A_510 : i32 to vector<16xi32>
    %add3A_512 = arith.addi %iota3A, %add3A_511 : vector<16xi32>
    %swap3A_513 = arith.constant 688 : index
    %swap3A_514 = tpu.vector_load %arg8[%swap3A_513] {strides = array<i32>} : memref<1024xi32, #tpu.memory_space<vmem>>, vector<16xi32>,
    %swap3A_515 = vector.shape_cast %swap3A_514 : vector<16xi32> to vector<16xi32>
    %swap3A_516 = vector.shape_cast %add3A_512 : vector<16xi32> to vector<16xi32>
    tpu.vector_store %arg8[%swap3A_513], %swap3A_516 {strides = array<i32>} : memref<1024xi32, #tpu.memory_space<vmem>>, vector<16xi32>,
    %add3A_517 = arith.constant 704 : i32
    %add3A_518 = arith.addi %rem3A_165, %add3A_517 : i32
    %add3A_519 = vector.broadcast %add3A_518 : i32 to vector<16xi32>
    %add3A_520 = arith.addi %iota3A, %add3A_519 : vector<16xi32>
    %swap3A_521 = arith.constant 704 : index
    %swap3A_522 = tpu.vector_load %arg8[%swap3A_521] {strides = array<i32>} : memref<1024xi32, #tpu.memory_space<vmem>>, vector<16xi32>,
    %swap3A_523 = vector.shape_cast %swap3A_522 : vector<16xi32> to vector<16xi32>
    %swap3A_524 = vector.shape_cast %add3A_520 : vector<16xi32> to vector<16xi32>
    tpu.vector_store %arg8[%swap3A_521], %swap3A_524 {strides = array<i32>} : memref<1024xi32, #tpu.memory_space<vmem>>, vector<16xi32>,
    %add3A_525 = arith.constant 720 : i32
    %add3A_526 = arith.addi %rem3A_165, %add3A_525 : i32
    %add3A_527 = vector.broadcast %add3A_526 : i32 to vector<16xi32>
    %add3A_528 = arith.addi %iota3A, %add3A_527 : vector<16xi32>
    %swap3A_529 = arith.constant 720 : index
    %swap3A_530 = tpu.vector_load %arg8[%swap3A_529] {strides = array<i32>} : memref<1024xi32, #tpu.memory_space<vmem>>, vector<16xi32>,
    %swap3A_531 = vector.shape_cast %swap3A_530 : vector<16xi32> to vector<16xi32>
    %swap3A_532 = vector.shape_cast %add3A_528 : vector<16xi32> to vector<16xi32>
    tpu.vector_store %arg8[%swap3A_529], %swap3A_532 {strides = array<i32>} : memref<1024xi32, #tpu.memory_space<vmem>>, vector<16xi32>,
    %add3A_533 = arith.constant 736 : i32
    %add3A_534 = arith.addi %rem3A_165, %add3A_533 : i32
    %add3A_535 = vector.broadcast %add3A_534 : i32 to vector<16xi32>
    %add3A_536 = arith.addi %iota3A, %add3A_535 : vector<16xi32>
    %swap3A_537 = arith.constant 736 : index
    %swap3A_538 = tpu.vector_load %arg8[%swap3A_537] {strides = array<i32>} : memref<1024xi32, #tpu.memory_space<vmem>>, vector<16xi32>,
    %swap3A_539 = vector.shape_cast %swap3A_538 : vector<16xi32> to vector<16xi32>
    %swap3A_540 = vector.shape_cast %add3A_536 : vector<16xi32> to vector<16xi32>
    tpu.vector_store %arg8[%swap3A_537], %swap3A_540 {strides = array<i32>} : memref<1024xi32, #tpu.memory_space<vmem>>, vector<16xi32>,
    %add3A_541 = arith.constant 752 : i32
    %add3A_542 = arith.addi %rem3A_165, %add3A_541 : i32
    %add3A_543 = vector.broadcast %add3A_542 : i32 to vector<16xi32>
    %add3A_544 = arith.addi %iota3A, %add3A_543 : vector<16xi32>
    %swap3A_545 = arith.constant 752 : index
    %swap3A_546 = tpu.vector_load %arg8[%swap3A_545] {strides = array<i32>} : memref<1024xi32, #tpu.memory_space<vmem>>, vector<16xi32>,
    %swap3A_547 = vector.shape_cast %swap3A_546 : vector<16xi32> to vector<16xi32>
    %swap3A_548 = vector.shape_cast %add3A_544 : vector<16xi32> to vector<16xi32>
    tpu.vector_store %arg8[%swap3A_545], %swap3A_548 {strides = array<i32>} : memref<1024xi32, #tpu.memory_space<vmem>>, vector<16xi32>,
    %add3A_549 = arith.constant 768 : i32
    %add3A_550 = arith.addi %rem3A_165, %add3A_549 : i32
    %add3A_551 = vector.broadcast %add3A_550 : i32 to vector<16xi32>
    %add3A_552 = arith.addi %iota3A, %add3A_551 : vector<16xi32>
    %swap3A_553 = arith.constant 768 : index
    %swap3A_554 = tpu.vector_load %arg8[%swap3A_553] {strides = array<i32>} : memref<1024xi32, #tpu.memory_space<vmem>>, vector<16xi32>,
    %swap3A_555 = vector.shape_cast %swap3A_554 : vector<16xi32> to vector<16xi32>
    %swap3A_556 = vector.shape_cast %add3A_552 : vector<16xi32> to vector<16xi32>
    tpu.vector_store %arg8[%swap3A_553], %swap3A_556 {strides = array<i32>} : memref<1024xi32, #tpu.memory_space<vmem>>, vector<16xi32>,
    %add3A_557 = arith.constant 784 : i32
    %add3A_558 = arith.addi %rem3A_165, %add3A_557 : i32
    %add3A_559 = vector.broadcast %add3A_558 : i32 to vector<16xi32>
    %add3A_560 = arith.addi %iota3A, %add3A_559 : vector<16xi32>
    %swap3A_561 = arith.constant 784 : index
    %swap3A_562 = tpu.vector_load %arg8[%swap3A_561] {strides = array<i32>} : memref<1024xi32, #tpu.memory_space<vmem>>, vector<16xi32>,
    %swap3A_563 = vector.shape_cast %swap3A_562 : vector<16xi32> to vector<16xi32>
    %swap3A_564 = vector.shape_cast %add3A_560 : vector<16xi32> to vector<16xi32>
    tpu.vector_store %arg8[%swap3A_561], %swap3A_564 {strides = array<i32>} : memref<1024xi32, #tpu.memory_space<vmem>>, vector<16xi32>,
    %add3A_565 = arith.constant 800 : i32
    %add3A_566 = arith.addi %rem3A_165, %add3A_565 : i32
    %add3A_567 = vector.broadcast %add3A_566 : i32 to vector<16xi32>
    %add3A_568 = arith.addi %iota3A, %add3A_567 : vector<16xi32>
    %swap3A_569 = arith.constant 800 : index
    %swap3A_570 = tpu.vector_load %arg8[%swap3A_569] {strides = array<i32>} : memref<1024xi32, #tpu.memory_space<vmem>>, vector<16xi32>,
    %swap3A_571 = vector.shape_cast %swap3A_570 : vector<16xi32> to vector<16xi32>
    %swap3A_572 = vector.shape_cast %add3A_568 : vector<16xi32> to vector<16xi32>
    tpu.vector_store %arg8[%swap3A_569], %swap3A_572 {strides = array<i32>} : memref<1024xi32, #tpu.memory_space<vmem>>, vector<16xi32>,
    %add3A_573 = arith.constant 816 : i32
    %add3A_574 = arith.addi %rem3A_165, %add3A_573 : i32
    %add3A_575 = vector.broadcast %add3A_574 : i32 to vector<16xi32>
    %add3A_576 = arith.addi %iota3A, %add3A_575 : vector<16xi32>
    %swap3A_577 = arith.constant 816 : index
    %swap3A_578 = tpu.vector_load %arg8[%swap3A_577] {strides = array<i32>} : memref<1024xi32, #tpu.memory_space<vmem>>, vector<16xi32>,
    %swap3A_579 = vector.shape_cast %swap3A_578 : vector<16xi32> to vector<16xi32>
    %swap3A_580 = vector.shape_cast %add3A_576 : vector<16xi32> to vector<16xi32>
    tpu.vector_store %arg8[%swap3A_577], %swap3A_580 {strides = array<i32>} : memref<1024xi32, #tpu.memory_space<vmem>>, vector<16xi32>,
    %add3A_581 = arith.constant 832 : i32
    %add3A_582 = arith.addi %rem3A_165, %add3A_581 : i32
    %add3A_583 = vector.broadcast %add3A_582 : i32 to vector<16xi32>
    %add3A_584 = arith.addi %iota3A, %add3A_583 : vector<16xi32>
    %swap3A_585 = arith.constant 832 : index
    %swap3A_586 = tpu.vector_load %arg8[%swap3A_585] {strides = array<i32>} : memref<1024xi32, #tpu.memory_space<vmem>>, vector<16xi32>,
    %swap3A_587 = vector.shape_cast %swap3A_586 : vector<16xi32> to vector<16xi32>
    %swap3A_588 = vector.shape_cast %add3A_584 : vector<16xi32> to vector<16xi32>
    tpu.vector_store %arg8[%swap3A_585], %swap3A_588 {strides = array<i32>} : memref<1024xi32, #tpu.memory_space<vmem>>, vector<16xi32>,
    %add3A_589 = arith.constant 848 : i32
    %add3A_590 = arith.addi %rem3A_165, %add3A_589 : i32
    %add3A_591 = vector.broadcast %add3A_590 : i32 to vector<16xi32>
    %add3A_592 = arith.addi %iota3A, %add3A_591 : vector<16xi32>
    %swap3A_593 = arith.constant 848 : index
    %swap3A_594 = tpu.vector_load %arg8[%swap3A_593] {strides = array<i32>} : memref<1024xi32, #tpu.memory_space<vmem>>, vector<16xi32>,
    %swap3A_595 = vector.shape_cast %swap3A_594 : vector<16xi32> to vector<16xi32>
    %swap3A_596 = vector.shape_cast %add3A_592 : vector<16xi32> to vector<16xi32>
    tpu.vector_store %arg8[%swap3A_593], %swap3A_596 {strides = array<i32>} : memref<1024xi32, #tpu.memory_space<vmem>>, vector<16xi32>,
    %add3A_597 = arith.constant 864 : i32
    %add3A_598 = arith.addi %rem3A_165, %add3A_597 : i32
    %add3A_599 = vector.broadcast %add3A_598 : i32 to vector<16xi32>
    %add3A_600 = arith.addi %iota3A, %add3A_599 : vector<16xi32>
    %swap3A_601 = arith.constant 864 : index
    %swap3A_602 = tpu.vector_load %arg8[%swap3A_601] {strides = array<i32>} : memref<1024xi32, #tpu.memory_space<vmem>>, vector<16xi32>,
    %swap3A_603 = vector.shape_cast %swap3A_602 : vector<16xi32> to vector<16xi32>
    %swap3A_604 = vector.shape_cast %add3A_600 : vector<16xi32> to vector<16xi32>
    tpu.vector_store %arg8[%swap3A_601], %swap3A_604 {strides = array<i32>} : memref<1024xi32, #tpu.memory_space<vmem>>, vector<16xi32>,
    %add3A_605 = arith.constant 880 : i32
    %add3A_606 = arith.addi %rem3A_165, %add3A_605 : i32
    %add3A_607 = vector.broadcast %add3A_606 : i32 to vector<16xi32>
    %add3A_608 = arith.addi %iota3A, %add3A_607 : vector<16xi32>
    %swap3A_609 = arith.constant 880 : index
    %swap3A_610 = tpu.vector_load %arg8[%swap3A_609] {strides = array<i32>} : memref<1024xi32, #tpu.memory_space<vmem>>, vector<16xi32>,
    %swap3A_611 = vector.shape_cast %swap3A_610 : vector<16xi32> to vector<16xi32>
    %swap3A_612 = vector.shape_cast %add3A_608 : vector<16xi32> to vector<16xi32>
    tpu.vector_store %arg8[%swap3A_609], %swap3A_612 {strides = array<i32>} : memref<1024xi32, #tpu.memory_space<vmem>>, vector<16xi32>,
    %add3A_613 = arith.constant 896 : i32
    %add3A_614 = arith.addi %rem3A_165, %add3A_613 : i32
    %add3A_615 = vector.broadcast %add3A_614 : i32 to vector<16xi32>
    %add3A_616 = arith.addi %iota3A, %add3A_615 : vector<16xi32>
    %swap3A_617 = arith.constant 896 : index
    %swap3A_618 = tpu.vector_load %arg8[%swap3A_617] {strides = array<i32>} : memref<1024xi32, #tpu.memory_space<vmem>>, vector<16xi32>,
    %swap3A_619 = vector.shape_cast %swap3A_618 : vector<16xi32> to vector<16xi32>
    %swap3A_620 = vector.shape_cast %add3A_616 : vector<16xi32> to vector<16xi32>
    tpu.vector_store %arg8[%swap3A_617], %swap3A_620 {strides = array<i32>} : memref<1024xi32, #tpu.memory_space<vmem>>, vector<16xi32>,
    %add3A_621 = arith.constant 912 : i32
    %add3A_622 = arith.addi %rem3A_165, %add3A_621 : i32
    %add3A_623 = vector.broadcast %add3A_622 : i32 to vector<16xi32>
    %add3A_624 = arith.addi %iota3A, %add3A_623 : vector<16xi32>
    %swap3A_625 = arith.constant 912 : index
    %swap3A_626 = tpu.vector_load %arg8[%swap3A_625] {strides = array<i32>} : memref<1024xi32, #tpu.memory_space<vmem>>, vector<16xi32>,
    %swap3A_627 = vector.shape_cast %swap3A_626 : vector<16xi32> to vector<16xi32>
    %swap3A_628 = vector.shape_cast %add3A_624 : vector<16xi32> to vector<16xi32>
    tpu.vector_store %arg8[%swap3A_625], %swap3A_628 {strides = array<i32>} : memref<1024xi32, #tpu.memory_space<vmem>>, vector<16xi32>,
    %add3A_629 = arith.constant 928 : i32
    %add3A_630 = arith.addi %rem3A_165, %add3A_629 : i32
    %add3A_631 = vector.broadcast %add3A_630 : i32 to vector<16xi32>
    %add3A_632 = arith.addi %iota3A, %add3A_631 : vector<16xi32>
    %swap3A_633 = arith.constant 928 : index
    %swap3A_634 = tpu.vector_load %arg8[%swap3A_633] {strides = array<i32>} : memref<1024xi32, #tpu.memory_space<vmem>>, vector<16xi32>,
    %swap3A_635 = vector.shape_cast %swap3A_634 : vector<16xi32> to vector<16xi32>
    %swap3A_636 = vector.shape_cast %add3A_632 : vector<16xi32> to vector<16xi32>
    tpu.vector_store %arg8[%swap3A_633], %swap3A_636 {strides = array<i32>} : memref<1024xi32, #tpu.memory_space<vmem>>, vector<16xi32>,
    %add3A_637 = arith.constant 944 : i32
    %add3A_638 = arith.addi %rem3A_165, %add3A_637 : i32
    %add3A_639 = vector.broadcast %add3A_638 : i32 to vector<16xi32>
    %add3A_640 = arith.addi %iota3A, %add3A_639 : vector<16xi32>
    %swap3A_641 = arith.constant 944 : index
    %swap3A_642 = tpu.vector_load %arg8[%swap3A_641] {strides = array<i32>} : memref<1024xi32, #tpu.memory_space<vmem>>, vector<16xi32>,
    %swap3A_643 = vector.shape_cast %swap3A_642 : vector<16xi32> to vector<16xi32>
    %swap3A_644 = vector.shape_cast %add3A_640 : vector<16xi32> to vector<16xi32>
    tpu.vector_store %arg8[%swap3A_641], %swap3A_644 {strides = array<i32>} : memref<1024xi32, #tpu.memory_space<vmem>>, vector<16xi32>,
    %add3A_645 = arith.constant 960 : i32
    %add3A_646 = arith.addi %rem3A_165, %add3A_645 : i32
    %add3A_647 = vector.broadcast %add3A_646 : i32 to vector<16xi32>
    %add3A_648 = arith.addi %iota3A, %add3A_647 : vector<16xi32>
    %swap3A_649 = arith.constant 960 : index
    %swap3A_650 = tpu.vector_load %arg8[%swap3A_649] {strides = array<i32>} : memref<1024xi32, #tpu.memory_space<vmem>>, vector<16xi32>,
    %swap3A_651 = vector.shape_cast %swap3A_650 : vector<16xi32> to vector<16xi32>
    %swap3A_652 = vector.shape_cast %add3A_648 : vector<16xi32> to vector<16xi32>
    tpu.vector_store %arg8[%swap3A_649], %swap3A_652 {strides = array<i32>} : memref<1024xi32, #tpu.memory_space<vmem>>, vector<16xi32>,
    %add3A_653 = arith.constant 976 : i32
    %add3A_654 = arith.addi %rem3A_165, %add3A_653 : i32
    %add3A_655 = vector.broadcast %add3A_654 : i32 to vector<16xi32>
    %add3A_656 = arith.addi %iota3A, %add3A_655 : vector<16xi32>
    %swap3A_657 = arith.constant 976 : index
    %swap3A_658 = tpu.vector_load %arg8[%swap3A_657] {strides = array<i32>} : memref<1024xi32, #tpu.memory_space<vmem>>, vector<16xi32>,
    %swap3A_659 = vector.shape_cast %swap3A_658 : vector<16xi32> to vector<16xi32>
    %swap3A_660 = vector.shape_cast %add3A_656 : vector<16xi32> to vector<16xi32>
    tpu.vector_store %arg8[%swap3A_657], %swap3A_660 {strides = array<i32>} : memref<1024xi32, #tpu.memory_space<vmem>>, vector<16xi32>,
    %add3A_661 = arith.constant 992 : i32
    %add3A_662 = arith.addi %rem3A_165, %add3A_661 : i32
    %add3A_663 = vector.broadcast %add3A_662 : i32 to vector<16xi32>
    %add3A_664 = arith.addi %iota3A, %add3A_663 : vector<16xi32>
    %swap3A_665 = arith.constant 992 : index
    %swap3A_666 = tpu.vector_load %arg8[%swap3A_665] {strides = array<i32>} : memref<1024xi32, #tpu.memory_space<vmem>>, vector<16xi32>,
    %swap3A_667 = vector.shape_cast %swap3A_666 : vector<16xi32> to vector<16xi32>
    %swap3A_668 = vector.shape_cast %add3A_664 : vector<16xi32> to vector<16xi32>
    tpu.vector_store %arg8[%swap3A_665], %swap3A_668 {strides = array<i32>} : memref<1024xi32, #tpu.memory_space<vmem>>, vector<16xi32>,
    %add3A_669 = arith.constant 1008 : i32
    %add3A_670 = arith.addi %rem3A_165, %add3A_669 : i32
    %add3A_671 = vector.broadcast %add3A_670 : i32 to vector<16xi32>
    %add3A_672 = arith.addi %iota3A, %add3A_671 : vector<16xi32>
    %swap3A_673 = arith.constant 1008 : index
    %swap3A_674 = tpu.vector_load %arg8[%swap3A_673] {strides = array<i32>} : memref<1024xi32, #tpu.memory_space<vmem>>, vector<16xi32>,
    %swap3A_675 = vector.shape_cast %swap3A_674 : vector<16xi32> to vector<16xi32>
    %swap3A_676 = vector.shape_cast %add3A_672 : vector<16xi32> to vector<16xi32>
    tpu.vector_store %arg8[%swap3A_673], %swap3A_676 {strides = array<i32>} : memref<1024xi32, #tpu.memory_space<vmem>>, vector<16xi32>,
    "tpu.region"() ({
      %run_scoped3A = tpu.sem_alloc : memref<!tpu.dma_semaphore, #tpu.memory_space<semaphore_mem>>
      %dma_start3A_677 = arith.constant 0 : i32
      %dma_start3A_678 = tpu.memref_slice %arg5[%add3A, %dma_start3A_677] : memref<32x1024xi32, #tpu.memory_space<hbm>> -> memref<1x1024xi32, #tpu.memory_space<hbm>>
      %dma_start3A_679 = tpu.memref_squeeze %dma_start3A_678 : memref<1x1024xi32, #tpu.memory_space<hbm>> -> memref<1024xi32, #tpu.memory_space<hbm>>
      %dma_start3A_680 = arith.constant 0 : i32
      %dma_start3A_681 = tpu.memref_slice %arg5[%add3A, %dma_start3A_680] : memref<32x1024xi32, #tpu.memory_space<hbm>> -> memref<1x1024xi32, #tpu.memory_space<hbm>>
      %dma_start3A_682 = tpu.memref_squeeze %dma_start3A_681 : memref<1x1024xi32, #tpu.memory_space<hbm>> -> memref<1024xi32, #tpu.memory_space<hbm>>
      tpu.enqueue_dma source(%arg8 : memref<1024xi32, #tpu.memory_space<vmem>>) target(%dma_start3A_682 : memref<1024xi32, #tpu.memory_space<hbm>>) target_semaphore(%run_scoped3A : memref<!tpu.dma_semaphore, #tpu.memory_space<semaphore_mem>>)
      %dma_wait3A_683 = arith.constant 0 : i32
      %dma_wait3A_684 = tpu.memref_slice %arg5[%add3A, %dma_wait3A_683] : memref<32x1024xi32, #tpu.memory_space<hbm>> -> memref<1x1024xi32, #tpu.memory_space<hbm>>
      %dma_wait3A_685 = tpu.memref_squeeze %dma_wait3A_684 : memref<1x1024xi32, #tpu.memory_space<hbm>> -> memref<1024xi32, #tpu.memory_space<hbm>>
      %dma_wait3A_686 = arith.constant 0 : i32
      %dma_wait3A_687 = tpu.memref_slice %arg5[%add3A, %dma_wait3A_686] : memref<32x1024xi32, #tpu.memory_space<hbm>> -> memref<1x1024xi32, #tpu.memory_space<hbm>>
      %dma_wait3A_688 = tpu.memref_squeeze %dma_wait3A_687 : memref<1x1024xi32, #tpu.memory_space<hbm>> -> memref<1024xi32, #tpu.memory_space<hbm>>
      tpu.wait_dma2 semaphore(%run_scoped3A : memref<!tpu.dma_semaphore, #tpu.memory_space<semaphore_mem>>) src(%arg8 : memref<1024xi32, #tpu.memory_space<vmem>>) dst(%dma_wait3A_688 : memref<1024xi32, #tpu.memory_space<hbm>>)
      tpu.yield
    }) : () -> ()
    return
  }
}

</mosaic_0001>

<sc_bundles>
// kernel: kernel.3.cloned.1.call-start
scs
__scs_entry_jumppad:
0x0: {  	(pc) =	sbr.rel $0x88, $3  }
0x1: {  	(tag) =	ssettag $0x0;
	lr =	simm.s32 $0x1  }
0x2: {  	[smem:$0x3F9F] =	sst lr;
	_ =	strace $0xD0000000  }
0x3: {  	_ = 	snop  }
0x4: {  	_ = 	snop  }
0x5: {  	_ = 	snop  }
0x6: {  	_ = 	snop  }
0x7: {  	_ = 	snop  }
__scs_overlays_trampoline_lowered:
0x8: {  	[smem:$0x3FAE] =	sst s0  }
0x9: {  	[smem:$0x3FAF] =	sst s1  }
0xa: {  	[smem:$0x3FB0] =	sst s2  }
0xb: {  	[smem:$0x3FB1] =	sst s3  }
0xc: {  	[smem:$0x3FB2] =	sst s4  }
0xd: {  	[smem:$0x3FB3] =	sst s5  }
0xe: {  	[smem:$0x3FB4] =	sst s6  }
0xf: {  	[smem:$0x3FB5] =	sst s7  }
0x10: {  	[smem:$0x3FB6] =	sst s8  }
0x11: {  	[smem:$0x3FB7] =	sst s9;
	s0 =	simm.s32 @!p0 $0x0  }
0x12: {  	s1 =	sld [smem:$0x3F9D];
	s0 =	simm.s32 @p0 $0x1  }
0x13: {  	[smem:$0x3FB8] =	sst s0;
	s0 =	simm.s32 @!p1 $0x0  }
0x14: {  	s2 =	sld [smem:$0x3F9C];
	s0 =	simm.s32 @p1 $0x1  }
0x15: {  	[smem:$0x3FB9] =	sst s0;
	s0 =	simm.s32 @!p2 $0x0  }
0x16: {  	s3 =	sld [smem:$0x3FDB];
	s0 =	simm.s32 @p2 $0x1  }
0x17: {  	s4 =	simm.s32 $0x1BF5;
	[smem:$0x3FBB] =	sst s0  }
0x18: {  	s0 =	sld [smem:$0x3F9E];
	_ =	swait.ge [sflag:s4], $0x0  }
0x19: {  	s7 =	sld [smem:$0x3F9F]  }
0x1a: {  	s8 =	sadd.s32 $0xFFFFE003, lr  }
0x1b: {  	s9 =	sadd.s32 $0xFFFFFEF7, lr;
	s5 =	simm.s32 $0xFFFFFFFF;
	p2 =	slt.u32 s8, $0xFFFFF086  }
0x1c: {  	p1 =	slt.u32 s9, $0xF7A;
	s5 =	simm.s32 @!p2 $0x0  }
0x1d: {  	s5 =	simm.s32 @p1 $0x1;
	p0 =	seq.s32 s7, s2  }
0x1e: {  	s7 =	smul.u32 @!p0 $0xF7A, s2;
	p2 =	seq.s32 @!p0 s5, $0x0  }
0x1f: {  	s9 =	smul.u32 $0xF7A, s1;
	s8 =	simm.s32 @!p0 $0x1BF5;
	p2 =	por !p2, p0  }
0x20: {  	[sflag:s8] =	ssyncset.s32 @!p0 $0xFFFFF086;
	s6 =	sadd.s32 @!p0 s3, s7;
	s7 =	simm.s32 @!p0 $0x108  }
0x21: {  	s3 =	sadd.s32 s3, s9;
	s6 =	sadd.s32 @!p0 $0x88, s6;
	s7 =	simm.s32 @p2 $0x1082  }
0x22: {  	[simem:s7], [sflag:s8] =	dma.local @!p0 [hbm:s6], $0xF7A  }
0x23: {  	s9 =	sor.u32 $0xD0000000, s2;
	s6 =	simm.s32 $0x108;
	_ =	swait.ge @!p0 [sflag:s8], $0x0  }
0x24: {  	s3 =	sadd.s32 $0x88, s3;
	s6 =	simm.s32 @!p1 $0x1082;
	[sflag:s4] =	ssyncset.s32 $0xFFFFF086  }
0x25: {  	[simem:s6], [sflag:s4] =	dma.local [hbm:s3], $0xF7A  }
0x26: {  	[smem:$0x3F9F] =	sst s1;
	(tag) =	ssettag s2;
	_ =	strace s9  }
0x27: {  	s1 =	sld [smem:$0x3FAF]  }
0x28: {  	s2 =	sld [smem:$0x3FB0]  }
0x29: {  	s4 =	sld [smem:$0x3FB2]  }
0x2a: {  	p0 =	seq.s32 s5, $0x0;
	s5 =	sld [smem:$0x3FB3]  }
0x2b: {  	s6 =	sld [smem:$0x3FB4]  }
0x2c: {  	s7 =	sld [smem:$0x3FB5]  }
0x2d: {  	s3 =	simm.s32 $0x108;
	s8 =	sld [smem:$0x3FB6]  }
0x2e: {  	s3 =	simm.s32 @!p0 $0x1082;
	s9 =	sld [smem:$0x3FB7]  }
0x2f: {  	lr =	sadd.s32 s0, s3;
	s0 =	sld [smem:$0x3FAE]  }
0x30: {  	s3 =	sld [smem:$0x3FB1]  }
0x31: {  	[smem:$0x3FBA] =	sst s10  }
0x32: {  	s10 =	sld [smem:$0x3FB8];
	_ =	sdelay $0x3  }
0x33: {  	p0 =	seq.s32 s10, $0x1;
	s10 =	sld [smem:$0x3FBA];
	_ =	sdelay $0x3  }
0x34: {  	[smem:$0x3FBA] =	sst s10  }
0x35: {  	s10 =	sld [smem:$0x3FB9];
	_ =	sdelay $0x3  }
0x36: {  	p1 =	seq.s32 s10, $0x1;
	s10 =	sld [smem:$0x3FBA];
	_ =	sdelay $0x3  }
0x37: {  	[smem:$0x3FBA] =	sst s10  }
0x38: {  	s10 =	sld [smem:$0x3FBB]  }
0x39: {  	_ = 	snop;
	(pc) =	sbr.ind lr, $3  }
0x3a: {  	_ = 	snop  }
0x3b: {  	_ = 	snop  }
0x3c: {  	p2 =	seq.s32 s10, $0x1;
	s10 =	sld [smem:$0x3FBA]  }
0x3d: {  	_ =	shalt  }
0x3e: {  	_ =	shalt  }
0x3f: {  	_ =	shalt  }
0x40: {  	_ =	shalt  }
0x41: {  	_ =	shalt  }
0x42: {  	_ =	shalt  }
0x43: {  	_ =	shalt  }
0x44: {  	_ =	shalt  }
0x45: {  	_ =	shalt  }
0x46: {  	_ =	shalt  }
0x47: {  	_ =	shalt  }
0x48: {  	_ =	shalt  }
0x49: {  	_ =	shalt  }
0x4a: {  	_ =	shalt  }
0x4b: {  	_ =	shalt  }
0x4c: {  	_ =	shalt  }
0x4d: {  	_ =	shalt  }
0x4e: {  	_ =	shalt  }
0x4f: {  	_ =	shalt  }
0x50: {  	_ =	shalt  }
0x51: {  	_ =	shalt  }
0x52: {  	_ =	shalt  }
0x53: {  	_ =	shalt  }
0x54: {  	_ =	shalt  }
0x55: {  	_ =	shalt  }
0x56: {  	_ =	shalt  }
0x57: {  	_ =	shalt  }
0x58: {  	_ =	shalt  }
0x59: {  	_ =	shalt  }
0x5a: {  	_ =	shalt  }
0x5b: {  	_ =	shalt  }
0x5c: {  	_ =	shalt  }
0x5d: {  	_ =	shalt  }
0x5e: {  	_ =	shalt  }
0x5f: {  	_ =	shalt  }
0x60: {  	_ =	shalt  }
0x61: {  	_ =	shalt  }
0x62: {  	_ =	shalt  }
0x63: {  	_ =	shalt  }
0x64: {  	_ =	shalt  }
0x65: {  	_ =	shalt  }
0x66: {  	_ =	shalt  }
0x67: {  	_ =	shalt  }
0x68: {  	_ =	shalt  }
0x69: {  	_ =	shalt  }
0x6a: {  	_ =	shalt  }
0x6b: {  	_ =	shalt  }
0x6c: {  	_ =	shalt  }
0x6d: {  	_ =	shalt  }
0x6e: {  	_ =	shalt  }
0x6f: {  	_ =	shalt  }
0x70: {  	_ =	shalt  }
0x71: {  	_ =	shalt  }
0x72: {  	_ =	shalt  }
0x73: {  	_ =	shalt  }
0x74: {  	_ =	shalt  }
0x75: {  	_ =	shalt  }
0x76: {  	_ =	shalt  }
0x77: {  	_ =	shalt  }
0x78: {  	_ =	shalt  }
0x79: {  	_ =	shalt  }
0x7a: {  	_ =	shalt  }
0x7b: {  	_ =	shalt  }
0x7c: {  	_ =	shalt  }
0x7d: {  	_ =	shalt  }
0x7e: {  	_ =	shalt  }
0x7f: {  	_ =	shalt  }
0x80: {  	_ =	shalt  }
0x81: {  	_ =	shalt  }
0x82: {  	_ =	shalt  }
0x83: {  	_ =	shalt  }
0x84: {  	_ =	shalt  }
0x85: {  	_ =	shalt  }
0x86: {  	_ =	shalt  }
0x87: {  	_ =	shalt  }
.Lfunc_end0:
.L_simem_size_0:
called_computation_lowered:
.L_overlay_start_0:
0x88: {  	s2 =	sld [smem:$0x3FD9]  }
0x89: {  	s3 =	sld [smem:$0x3FFE];
	_ =	sdelay $0x1  }
0x8a: {  	s1 =	srdreg.scid  }
0x8b: {  	s0 =	sand.u32 $0x1, s1  }
0x8c: {  	s14 =	sshll.u32 s0, $0xA;
	s2 =	sadd.s32 s3, s2  }
0x8d: {  	s2 =	sadd.s32 s2, s14  }
0x8e: {  	[smem:$0x3FC6] =	sst s2  }
0x8f: {  	_ = 	snop  }
0x90: {  	s2 =	sld [smem:$0x3FD0];
	_ =	sdelay $0x2  }
0x91: {  	s4 =	simm.s32 $0xA;
	s5 =	simm.s32 $0x10;
	s15 =	sld [smem:$0x3FC8]  }
0x92: {  	[smem:s5], [sflag:s4] =	dma.local [hbm:s2], $0x1  }
0x93: {  	_ =	swait.eq [sflag:s4], $0x1  }
0x94: {  	[sflag:s4] =	ssyncset.done $0x0  }
0x95: {  	s16 =	sld [smem:$0x10];
	[sflag:s4] =	ssyncadd.s32 $0xFFFFFFFF  }
0x96: {  	s17 =	sld [smem:$0x11];
	(tm) =	ssettm $0x1  }
0x97: {  	s18 =	sld [smem:$0x3FFB];
	_ =	sdelay $0x3  }
0x98: {  	_ =	strace s18  }
0x99: {  	s5 =	sld [smem:$0x3FFC];
	_ =	sdelay $0x3  }
0x9a: {  	_ =	strace s5  }
0x9b: {  	s5 =	sld [smem:$0x3FFD];
	_ =	sdelay $0x3  }
0x9c: {  	_ =	strace s5  }
0x9d: {  	_ =	strace $0x8FFFFFFF  }
0x9e: {  	s19 =	sld [smem:$0x3FDB];
	_ =	sdelay $0x1  }
0x9f: {  	s6 =	simm.s32 $_scs_section_size  }
0xa0: {  	s7 =	simm.s32 $_size__tile_overlayer_lowered;
	s8 =	simm.s32 $_tile_overlayer_lowered  }
0xa1: {  	s22 =	simm.s32 $0x1BFF;
	s21 =	sshll.u32 s8, $0x1;
	s5 =	sadd.s32 s6, s19  }
0xa2: {  	s9 =	simm.s32 $0x0;
	s20 =	sshll.u32 s7, $0x1;
	s7 =	sadd.s32 s21, s5  }
0xa3: {  	[timem:s9], [sflag:s22] =	dma.local [hbm:s7], s20  }
0xa4: {  	_ =	swait.ge [sflag:s22], s20  }
0xa5: {  	s6 =	ssub.s32 $0x0, s20;
	[sflag:s22] =	ssyncset.done $0x0  }
0xa6: {  	[sflag:s22] =	ssyncadd.s32 s6;
	_ =	sdelay $0x1  }
0xa7: {  	s23 =	simm.s32 $0x1B8B  }
0xa8: {  	_ =	swait.ge [sflag:s23], $0x1  }
0xa9: {  	[sflag:s23] =	ssyncset.done $0x0  }
0xaa: {  	s25 =	simm.s32 $0x1B8E;
	s24 =	sld [smem:$0x3FFE];
	[sflag:s23] =	ssyncadd.s32 $0xFFFFFFFF  }
0xab: {  	s26 =	simm.s32 $execute0_lowered;
	[smem:$0x3FD2] =	sst s25  }
0xac: {  	s7 =	sshll.u32 s26, $0x1;
	_ =	strace $0x80000046;
	[dreg:$0x1] =	wrdreg $0xFFFFFFFF  }
0xad: {  	s28 =	simm.s32 $_size_execute0_lowered;
	s5 =	sadd.s32 s5, s7;
	[dreg:$0x0] =	wrdreg $0x0  }
0xae: {  	s7 =	sshll.u32 s28, $0x1;
	[dreg:$0x2] =	wrdreg s5  }
0xaf: {  	[dreg:$0x3] =	wrdreg s7  }
0xb0: {  	[dreg:$0x4] =	wrdreg $0xC0  }
0xb1: {  	_ =	task [dreg:s9], $0x5FFFF  }
0xb2: {  	[dreg:$0x1] =	wrdreg $0xFFFFFFFF  }
0xb3: {  	[dreg:$0x0] =	wrdreg $0x60  }
0xb4: {  	[dreg:$0x2] =	wrdreg s17  }
0xb5: {  	[dreg:$0x3] =	wrdreg s15  }
0xb6: {  	[dreg:$0x4] =	wrdreg s16  }
0xb7: {  	[dreg:$0x5] =	wrdreg s24  }
0xb8: {  	[dreg:$0x6] =	wrdreg $0x9  }
0xb9: {  	_ =	task.clear_ibuf [dreg:s9], $0x7FFFF;
	_ =	strace $0x90000046  }
0xba: {  	s29 =	simm.s32 $0x9;
	_ =	strace $0x80000048  }
0xbb: {  	_ =	swait.ge [sflag:s29], $0x1  }
0xbc: {  	[sflag:s29] =	ssyncadd.s32 $0xFFFFFFFF  }
0xbd: {  	_ =	strace $0x90000048  }
0xbe: {  	_ =	sfence  }
0xbf: {  	s30 =	sld [smem:$0x0];
	_ =	sdelay $0x2  }
0xc0: {  	s31 =	sshll.u32 s1, $0xD;
	s1 =	sshrl.u32 s1, $0x2  }
0xc1: {  	s3 =	sand.u32 $0x4000, s31;
	s1 =	sadd.s32 s1, s30  }
0xc2: {  	s0 =	sor.u32 s3, s0;
	s1 =	sshll.u32 s1, $0x11  }
0xc3: {  	s0 =	sor.u32 s1, s0  }
0xc4: {  	s0 =	sadd.s32 $0x8F2B, s0  }
0xc5: {  	[sflag:s0] =	ssyncadd.remote.s32 $0x1  }
0xc6: {  	_ =	sfence.sel $0xFFFF  }
0xc7: {  	[dreg:$0x0] =	wrdreg $0xFFFFFFFF;
	(pc) =	sbr.abs _section_cstart, $3  }
0xc8: {  	[dreg:$0x1] =	wrdreg $0xFFFFFFFF  }
0xc9: {  	_ =	task.clear_ibuf [dreg:s9], $0x2FFFF;
	_ =	strace $0x9FFFFFFF  }
0xca: {  	(tm) =	ssettm $0x7FFFFFFF  }
0xcb: {  	_ =	shalt  }
tec
execute0_lowered:
.L_overlay_start_1:
0x0: {  	(tag) =	ssettag $0x1  }
0x1: {  	s5 =	rddreg [dreg:$0x0]  }
0x2: {  	s1 =	rddreg [dreg:$0x1]  }
0x3: {  	s2 =	srdreg.scid;
	s6 =	rddreg [dreg:$0x2]  }
0x4: {  	s0 =	stileid.u32;
	s7 =	rddreg [dreg:$0x3];
	s3 =	simm.s32 $0x0  }
0x5: {  	s4 =	sand.u32 $0x1, s2;
	s26 =	sshll.u32 s0, $0x1;
	[smem:$0x7FF] =	sst s3  }
0x6: {  	s2 =	rddreg [dreg:$0x4];
	s8 =	sor.u32 s4, s26;
	_ =	strace $0x80000047  }
0x7: {  	s4 =	ssub.s32 $0x2, s4;
	s9 =	sshll.u32 s8, $0xA;
	s10 =	sshll.u32 s8, $0x7  }
0x8: {  	s28 =	sshrl.u32 s4, $0x1;
	s12 =	sshll.u32 s8, $0xE;
	s11 =	sor.u32 s10, s9  }
0x9: {  	s8 =	ssub.s32 s4, s28;
	s4 =	sadd.s32 s6, s12;
	s9 =	sand.u32 $0x1C00, s9  }
0xa: {  	s5 =	sadd.s32 s5, s10;
	s10 =	simm.s32 $0x80;
	s12 =	simm.s32 $0x4400  }
0xb: {  	s11 =	sand.u32 $0x6380, s11;
	s6 =	sadd.s32 $0x2000, s4;
	s29 =	sor.u32 $0x10, s9  }
0xc: {  	s30 =	sor.u32 $0x20, s9;
	s31 =	sor.u32 $0x30, s9;
	s13 =	sor.u32 $0x40, s9  }
0xd: {  	s14 =	sor.u32 $0x50, s9;
	s15 =	sor.u32 $0x60, s9;
	s16 =	sor.u32 $0x70, s9  }
0xe: {  	s17 =	sor.u32 $0x80, s9;
	s18 =	sor.u32 $0x90, s9;
	s19 =	sor.u32 $0xA0, s9  }
0xf: {  	v58 =	vlaneseq.u32;
	s20 =	sor.u32 $0xB0, s9;
	s21 =	sor.u32 $0xC0, s9;
	s22 =	sor.u32 $0xD0, s9  }
0x10: {  	s25 =	sor.u32 $0xE0, s9;
	s23 =	sor.u32 $0xF0, s9;
	s24 =	sor.u32 $0x100, s9;
	v47 =	vor.u32 s9, v58  }
0x11: {  	s26 =	sor.u32 $0x120, s9;
	s28 =	sor.u32 $0x130, s9;
	s8 =	smax.u32 s8, $0x1;
	v0 =	vor.u32 s29, v58;
	v1 =	vor.u32 s30, v58;
	v2 =	vor.u32 s31, v58  }
0x12: {  	s11 =	sshrl.u32 s11, $0x3;
	v3 =	vor.u32 s13, v58;
	s13 =	sor.u32 $0x110, s9;
	v4 =	vor.u32 s14, v58;
	v5 =	vor.u32 s15, v58;
	s14 =	sor.u32 $0x140, s9  }
0x13: {  	v6 =	vor.u32 s16, v58;
	s15 =	sor.u32 $0x150, s9;
	s16 =	sor.u32 $0x160, s9;
	v7 =	vor.u32 s17, v58;
	v8 =	vor.u32 s18, v58;
	s17 =	sor.u32 $0x170, s9  }
0x14: {  	v9 =	vor.u32 s19, v58;
	s18 =	sor.u32 $0x180, s9;
	s19 =	sor.u32 $0x190, s9;
	v10 =	vor.u32 s20, v58;
	v11 =	vor.u32 s21, v58;
	s29 =	sor.u32 $0x1A0, s9  }
0x15: {  	v12 =	vor.u32 s22, v58;
	s30 =	sor.u32 $0x1B0, s9;
	s31 =	sor.u32 $0x1C0, s9;
	v13 =	vor.u32 s25, v58;
	v14 =	vor.u32 s23, v58;
	s23 =	sor.u32 $0x1D0, s9  }
0x16: {  	v15 =	vor.u32 s24, v58;
	s24 =	sor.u32 $0x1E0, s9;
	s25 =	sor.u32 $0x1F0, s9;
	v17 =	vor.u32 s26, v58;
	v18 =	vor.u32 s28, v58;
	s26 =	sor.u32 $0x210, s9  }
0x17: {  	s28 =	sor.u32 $0x220, s9;
	s21 =	sor.u32 $0x380, s9;
	s22 =	sor.u32 $0x390, s9;
	v16 =	vor.u32 s13, v58;
	v19 =	vor.u32 s14, v58;
	v20 =	vor.u32 s15, v58  }
0x18: {  	s20 =	simm.s32 $0x300;
	s7 =	sadd.s32 s11, s7;
	s13 =	sor.u32 $0x200, s9;
	v21 =	vor.u32 s16, v58;
	v22 =	vor.u32 s17, v58;
	v23 =	vor.u32 s18, v58  }
0x19: {  	s14 =	sor.u32 $0x230, s9;
	s15 =	sor.u32 $0x240, s9;
	s16 =	sor.u32 $0x250, s9;
	v24 =	vor.u32 s19, v58;
	v25 =	vor.u32 s29, v58;
	v26 =	vor.u32 s30, v58  }
0x1a: {  	s17 =	sor.u32 $0x260, s9;
	s18 =	sor.u32 $0x270, s9;
	s19 =	sor.u32 $0x280, s9;
	v27 =	vor.u32 s31, v58;
	v28 =	vor.u32 s23, v58;
	v29 =	vor.u32 s24, v58  }
0x1b: {  	s29 =	sor.u32 $0x290, s9;
	s30 =	sor.u32 $0x2A0, s9;
	s31 =	sor.u32 $0x2B0, s9;
	v30 =	vor.u32 s25, v58;
	v32 =	vor.u32 s26, v58;
	v33 =	vor.u32 s28, v58  }
0x1c: {  	s23 =	sor.u32 $0x2C0, s9;
	s24 =	sor.u32 $0x2D0, s9;
	s25 =	sor.u32 $0x2E0, s9;
	v56 =	vor.u32 s21, v58;
	v57 =	vor.u32 s22, v58;
	v31 =	vor.u32 s13, v58  }
0x1d: {  	s26 =	sor.u32 $0x2F0, s9;
	s28 =	sor.u32 $0x300, s9;
	s11 =	simm.s32 $0x400;
	v34 =	vor.u32 s14, v58;
	v35 =	vor.u32 s15, v58;
	v36 =	vor.u32 s16, v58  }
0x1e: {  	s21 =	simm.s32 $0x380;
	s22 =	simm.s32 $0x10400;
	s13 =	sor.u32 $0x310, s9;
	v37 =	vor.u32 s17, v58;
	v38 =	vor.u32 s18, v58;
	v39 =	vor.u32 s19, v58  }
0x1f: {  	s14 =	sor.u32 $0x320, s9;
	s15 =	sor.u32 $0x330, s9;
	s16 =	sor.u32 $0x340, s9;
	v40 =	vor.u32 s29, v58;
	v41 =	vor.u32 s30, v58;
	v42 =	vor.u32 s31, v58  }
0x20: {  	s17 =	sor.u32 $0x350, s9;
	s18 =	sor.u32 $0x360, s9;
	s19 =	sor.u32 $0x370, s9;
	v43 =	vor.u32 s23, v58;
	v44 =	vor.u32 s24, v58;
	v45 =	vor.u32 s25, v58  }
0x21: {  	s29 =	sor.u32 $0x3A0, s9;
	s30 =	sor.u32 $0x3B0, s9;
	s31 =	sor.u32 $0x3C0, s9;
	v46 =	vor.u32 s26, v58;
	v48 =	vor.u32 s28, v58;
	v49 =	vor.u32 s13, v58  }
0x22: {  	s25 =	sor.u32 $0x3D0, s9;
	s26 =	sor.u32 $0x3E0, s9;
	s28 =	sor.u32 $0x3F0, s9;
	v50 =	vor.u32 s14, v58;
	v51 =	vor.u32 s15, v58;
	v52 =	vor.u32 s16, v58  }
0x23: {  	s7 =	sadd.s32 $0x800, s7;
	s9 =	simm.s32 $0x2;
	v53 =	vor.u32 s17, v58;
	v54 =	vor.u32 s18, v58;
	s13 =	simm.s32 $0x100;
	v55 =	vor.u32 s19, v58  }
0x24: {  	s14 =	simm.s32 $0x8400;
	s15 =	simm.s32 $0x180;
	s16 =	simm.s32 $0xC400;
	v59 =	vor.u32 s29, v58;
	v60 =	vor.u32 s30, v58;
	v61 =	vor.u32 s31, v58  }
0x25: {  	s17 =	simm.s32 $0x1;
	s18 =	simm.s32 $0x200;
	s19 =	simm.s32 $0x280;
	v62 =	vor.u32 s25, v58;
	v63 =	vor.u32 s26, v58;
	v58 =	vor.u32 s28, v58  }
.LBB2_1:
0x26: {  	[tilespmem:s3], [sflag:$0x2] =	stream.linear.gather [hbm4b:s5+s3], $0x400, $0x38;
	[tilespmem:$0x10800] =	vst v63  }
0x27: {  	_ =	swait.ge [sflag:s9], $0x400  }
0x28: {  	[sflag:s9] =	ssyncset.done $0x0  }
0x29: {  	[sflag:s9] =	ssyncadd.s32 $0xFFFFFC00  }
0x2a: {  	[tilespmem:s11], [sflag:$0x1] =	stream.indirect.gather [hbm4b:s1+s10], $0x80, s3, s10, $0xb8;
	[tilespmem:$0x10800] =	vst v63  }
0x2b: {  	_ = 	snop  }
0x2c: {  	[tilespmem:s12], [sflag:$0x1] =	stream.indirect.gather [hbm4b:s1+s10], $0x80, s10, s10, $0xb8;
	[tilespmem:$0x10800] =	vst v63  }
0x2d: {  	_ = 	snop  }
0x2e: {  	[tilespmem:s14], [sflag:$0x1] =	stream.indirect.gather [hbm4b:s1+s10], $0x80, s13, s10, $0xb8;
	[tilespmem:$0x10800] =	vst v63  }
0x2f: {  	_ = 	snop  }
0x30: {  	[tilespmem:s16], [sflag:$0x1] =	stream.indirect.gather [hbm4b:s1+s10], $0x80, s15, s10, $0xb8;
	[tilespmem:$0x10800] =	vst v63  }
0x31: {  	_ =	swait.ge [sflag:s17], $0x4000  }
0x32: {  	[sflag:s17] =	ssyncset.done $0x0  }
0x33: {  	[sflag:s17] =	ssyncadd.s32 $0xFFFFC000  }
0x34: {  	_ =	swait.ge [sflag:s17], $0x4000  }
0x35: {  	[sflag:s17] =	ssyncset.done $0x0  }
0x36: {  	[sflag:s17] =	ssyncadd.s32 $0xFFFFC000  }
0x37: {  	_ =	swait.ge [sflag:s17], $0x4000  }
0x38: {  	[sflag:s17] =	ssyncset.done $0x0  }
0x39: {  	[sflag:s17] =	ssyncadd.s32 $0xFFFFC000  }
0x3a: {  	_ =	swait.ge [sflag:s17], $0x4000  }
0x3b: {  	[sflag:s17] =	ssyncset.done $0x0  }
0x3c: {  	[sflag:s17] =	ssyncadd.s32 $0xFFFFC000  }
0x3d: {  	[hbm4b:s4+s3] =	stream.linear.scatter [tilespmem:s11], [sflag:$0x2], $0x10000, $0x38;
	[tilespmem:$0x10800] =	vst v63  }
0x3e: {  	_ =	swait.ge [sflag:s9], $0x10000  }
0x3f: {  	[sflag:s9] =	ssyncset.done $0x0  }
0x40: {  	[sflag:s9] =	ssyncadd.s32 $0xFFFF0000  }
0x41: {  	[tilespmem:s11], [sflag:$0x1] =	stream.indirect.gather [hbm4b:s1+s10], $0x80, s18, s10, $0xb8;
	[tilespmem:$0x10800] =	vst v63  }
0x42: {  	_ = 	snop  }
0x43: {  	[tilespmem:s12], [sflag:$0x1] =	stream.indirect.gather [hbm4b:s1+s10], $0x80, s19, s10, $0xb8;
	[tilespmem:$0x10800] =	vst v63  }
0x44: {  	_ = 	snop  }
0x45: {  	[tilespmem:s14], [sflag:$0x1] =	stream.indirect.gather [hbm4b:s1+s10], $0x80, s20, s10, $0xb8;
	[tilespmem:$0x10800] =	vst v63  }
0x46: {  	_ = 	snop  }
0x47: {  	[tilespmem:s16], [sflag:$0x1] =	stream.indirect.gather [hbm4b:s1+s10], $0x80, s21, s10, $0xb8;
	[tilespmem:$0x10800] =	vst v63  }
0x48: {  	_ =	swait.ge [sflag:s17], $0x4000  }
0x49: {  	[sflag:s17] =	ssyncset.done $0x0  }
0x4a: {  	[sflag:s17] =	ssyncadd.s32 $0xFFFFC000  }
0x4b: {  	_ =	swait.ge [sflag:s17], $0x4000  }
0x4c: {  	[sflag:s17] =	ssyncset.done $0x0  }
0x4d: {  	[sflag:s17] =	ssyncadd.s32 $0xFFFFC000  }
0x4e: {  	_ =	swait.ge [sflag:s17], $0x4000  }
0x4f: {  	[sflag:s17] =	ssyncset.done $0x0  }
0x50: {  	[sflag:s17] =	ssyncadd.s32 $0xFFFFC000  }
0x51: {  	_ =	swait.ge [sflag:s17], $0x4000  }
0x52: {  	[sflag:s17] =	ssyncset.done $0x0  }
0x53: {  	[sflag:s17] =	ssyncadd.s32 $0xFFFFC000  }
0x54: {  	[hbm4b:s6+s3] =	stream.linear.scatter [tilespmem:s11], [sflag:$0x2], $0x10000, $0x38;
	[tilespmem:$0x10800] =	vst v63  }
0x55: {  	_ =	swait.ge [sflag:s9], $0x10000  }
0x56: {  	[sflag:s9] =	ssyncset.done $0x0  }
0x57: {  	[sflag:s9] =	ssyncadd.s32 $0xFFFF0000  }
0x58: {  	[tilespmem:$0x10400] =	vst v47  }
0x59: {  	[tilespmem:$0x10410] =	vst v0  }
0x5a: {  	[tilespmem:$0x10420] =	vst v1  }
0x5b: {  	[tilespmem:$0x10430] =	vst v2  }
0x5c: {  	[tilespmem:$0x10440] =	vst v3  }
0x5d: {  	[tilespmem:$0x10450] =	vst v4  }
0x5e: {  	[tilespmem:$0x10460] =	vst v5  }
0x5f: {  	[tilespmem:$0x10470] =	vst v6  }
0x60: {  	[tilespmem:$0x10480] =	vst v7  }
0x61: {  	[tilespmem:$0x10490] =	vst v8  }
0x62: {  	[tilespmem:$0x104A0] =	vst v9  }
0x63: {  	[tilespmem:$0x104B0] =	vst v10  }
0x64: {  	[tilespmem:$0x104C0] =	vst v11  }
0x65: {  	[tilespmem:$0x104D0] =	vst v12  }
0x66: {  	[tilespmem:$0x104E0] =	vst v13  }
0x67: {  	[tilespmem:$0x104F0] =	vst v14  }
0x68: {  	[tilespmem:$0x10500] =	vst v15  }
0x69: {  	[tilespmem:$0x10510] =	vst v16  }
0x6a: {  	[tilespmem:$0x10520] =	vst v17  }
0x6b: {  	[tilespmem:$0x10530] =	vst v18  }
0x6c: {  	[tilespmem:$0x10540] =	vst v19  }
0x6d: {  	[tilespmem:$0x10550] =	vst v20  }
0x6e: {  	[tilespmem:$0x10560] =	vst v21  }
0x6f: {  	[tilespmem:$0x10570] =	vst v22  }
0x70: {  	[tilespmem:$0x10580] =	vst v23  }
0x71: {  	[tilespmem:$0x10590] =	vst v24  }
0x72: {  	[tilespmem:$0x105A0] =	vst v25  }
0x73: {  	[tilespmem:$0x105B0] =	vst v26  }
0x74: {  	[tilespmem:$0x105C0] =	vst v27  }
0x75: {  	[tilespmem:$0x105D0] =	vst v28  }
0x76: {  	[tilespmem:$0x105E0] =	vst v29  }
0x77: {  	[tilespmem:$0x105F0] =	vst v30  }
0x78: {  	[tilespmem:$0x10600] =	vst v31  }
0x79: {  	[tilespmem:$0x10610] =	vst v32  }
0x7a: {  	[tilespmem:$0x10620] =	vst v33  }
0x7b: {  	[tilespmem:$0x10630] =	vst v34  }
0x7c: {  	[tilespmem:$0x10640] =	vst v35  }
0x7d: {  	[tilespmem:$0x10650] =	vst v36  }
0x7e: {  	[tilespmem:$0x10660] =	vst v37  }
0x7f: {  	[tilespmem:$0x10670] =	vst v38  }
0x80: {  	[tilespmem:$0x10680] =	vst v39  }
0x81: {  	[tilespmem:$0x10690] =	vst v40  }
0x82: {  	[tilespmem:$0x106A0] =	vst v41  }
0x83: {  	[tilespmem:$0x106B0] =	vst v42  }
0x84: {  	[tilespmem:$0x106C0] =	vst v43  }
0x85: {  	[tilespmem:$0x106D0] =	vst v44  }
0x86: {  	[tilespmem:$0x106E0] =	vst v45  }
0x87: {  	[tilespmem:$0x106F0] =	vst v46  }
0x88: {  	[tilespmem:$0x10700] =	vst v48  }
0x89: {  	[tilespmem:$0x10710] =	vst v49  }
0x8a: {  	[tilespmem:$0x10720] =	vst v50  }
0x8b: {  	[tilespmem:$0x10730] =	vst v51  }
0x8c: {  	[tilespmem:$0x10740] =	vst v52  }
0x8d: {  	[tilespmem:$0x10750] =	vst v53  }
0x8e: {  	[tilespmem:$0x10760] =	vst v54  }
0x8f: {  	[tilespmem:$0x10770] =	vst v55  }
0x90: {  	[tilespmem:$0x10780] =	vst v56  }
0x91: {  	[tilespmem:$0x10790] =	vst v57  }
0x92: {  	[tilespmem:$0x107A0] =	vst v59  }
0x93: {  	[tilespmem:$0x107B0] =	vst v60  }
0x94: {  	[tilespmem:$0x107C0] =	vst v61  }
0x95: {  	[tilespmem:$0x107D0] =	vst v62  }
0x96: {  	p0 =	sne.s32 s8, $0x1;
	[tilespmem:$0x107E0] =	vst v63  }
.Ltmp0:
0x97: {  	[tilespmem:$0x107F0] =	vst v58;
	(pc) =	sbr.rel @p0 .LBB2_1-.Ltmp0, $4  }
0x98: {  	[hbm4b:s7+s10] =	stream.strided.scatter [tilespmem:s22], [sflag:$0x2], $0x400, s11, s10, $0x38;
	[tilespmem:$0x10800] =	vst v63  }
0x99: {  	_ =	swait.ge [sflag:s9], $0x400  }
0x9a: {  	[sflag:s9] =	ssyncset.done $0x0  }
0x9b: {  	s8 =	sadd.s32 $0xFFFFFFFF, s8;
	[sflag:s9] =	ssyncadd.s32 $0xFFFFFC00  }
0x9c: {  	_ =	sfence.sel $0x180000  }
0x9d: {  	[bflag:$0x0] =	sbarrier.arrive $0xFFFF  }
0x9e: {  	p0 =	sne.s32 s0, $0x0;
	_ =	strace $0x90000047  }
0x9f: {  	s0 =	sadd.s32 @!p0 $0x100000, s2;
	[bflag:$0x2] =	sbarrier.arrive $0xFFFF  }
0xa0: {  	[sflag:s0] =	ssyncadd.tile.s32 @!p0 $0x1;
	_ =	shalt  }
.Lfunc_end2:
_tile_overlayer_lowered:
.L_overlay_start_2:
0xa1: {  	(tag) =	ssettag $0x2  }
0xa2: {  	s0 =	rddreg [dreg:$0x0];
	s2 =	stileid.u32  }
0xa3: {  	s1 =	rddreg [dreg:$0x1];
	p0 =	sne.s32 s2, $0x0  }
0xa4: {  	s3 =	rddreg [dreg:$0x2];
	[bflag:$0x3] =	sbarrier.arrive $0xFFFF;
	s2 =	simm.s32 @!p0 $0x1C02  }
0xa5: {  	[timem:s3], [sflag:s2] =	dma.local @!p0 [hbm:s0], s1  }
0xa6: {  	s0 =	simm.s32 @!p0 $0x2  }
0xa7: {  	_ =	swait.ge @!p0 [sflag:s0], s1  }
0xa8: {  	s1 =	ssub.s32 @!p0 $0x0, s1;
	[sflag:s0] =	ssyncset.done @!p0 $0x0  }
0xa9: {  	[sflag:s0] =	ssyncadd.s32 @!p0 s1  }
0xaa: {  	[bflag:$0x3] =	sbarrier.arrive $0xFFFF  }
0xab: {  	_ =	shalt  }

</sc_bundles>
